<compile_context>
chip_gen: v7x
topology: tpu7x:2x2x1
jax: 0.10.2.dev20260603
libtpu: 0.0.44.dev20260713+nightly
codegen_flags: <defaults>
</compile_context>

<pallas_src>
import functools

import jax
import jax.numpy as jnp
from jax import lax
from jax.experimental import pallas as pl
from jax.experimental.pallas import tpu as pltpu
from jax.experimental.pallas import tpu_sc as plsc

R_TILE = 256
C_BLK = 2048
GPTS = 16
KC = 8
NGSEL = 16
NCAND = NGSEL * GPTS
BIG = 1.0e30
MASKED = 2.0e30
IBIG = 2**30
GMASK = 4095


def _group_body(n_pad, ro_ref, rd_ref, pts_ref, arow_ref, gsel_ref, msc):
    ox = ro_ref[:, 0:1]
    oy = ro_ref[:, 1:2]
    oz = ro_ref[:, 2:3]
    dxr = rd_ref[:, 0:1]
    dyr = rd_ref[:, 1:2]
    dzr = rd_ref[:, 2:3]
    inv = 1.0 / jnp.sqrt(dxr * dxr + dyr * dyr + dzr * dzr + 1e-12)
    dx = dxr * inv
    dy = dyr * inv
    dz = dzr * inv
    c2 = 2.0 * (ox * dx + oy * dy + oz * dz)
    oc = ox * ox + oy * oy + oz * oz - 0.25 * c2 * c2
    nox = -2.0 * ox
    noy = -2.0 * oy
    noz = -2.0 * oz

    nblk = n_pad // C_BLK

    def blk(b, _):
        px = pts_ref[0:1, pl.ds(b * C_BLK, C_BLK)]
        py = pts_ref[1:2, pl.ds(b * C_BLK, C_BLK)]
        pz = pts_ref[2:3, pl.ds(b * C_BLK, C_BLK)]
        a = arow_ref[0:1, pl.ds(b * C_BLK, C_BLK)]
        u = a + px * nox + py * noy + pz * noz
        tp = px * dx + py * dy + pz * dz
        s = u + tp * (c2 - tp)
        m = s[:, 0:128]
        for k in range(1, C_BLK // 128):
            m = jnp.minimum(m, s[:, k * 128:(k + 1) * 128])
        msc[:, pl.ds(b * 128, 128)] = m
        return 0

    lax.fori_loop(0, nblk, blk, 0)

    ng = nblk * 128
    M = jnp.maximum(msc[...] + (oc + 1.0), 1.0)
    glane = lax.broadcasted_iota(jnp.int32, (R_TILE, ng), 1)
    key = lax.bitcast_convert_type(
        (lax.bitcast_convert_type(M, jnp.int32) & ~GMASK) | glane, jnp.float32)
    lane128 = lax.broadcasted_iota(jnp.int32, (R_TILE, 128), 1)
    gout = jnp.full((R_TILE, 128), 0, jnp.int32)
    for k in range(NGSEL):
        mk = jnp.min(key, axis=1, keepdims=True)
        key = jnp.where(key == mk, MASKED, key)
        gid = lax.bitcast_convert_type(mk, jnp.int32) & GMASK
        gout = jnp.where(lane128 == k, gid, gout)
    gsel_ref[...] = gout[:, 0:NGSEL]


def _cand_body(n_real, ro_ref, rd_ref, px_ref, py_ref, pz_ref, grep_ref,
               dist_out, t_out, idx_out):
    ox = ro_ref[:, 0:1]
    oy = ro_ref[:, 1:2]
    oz = ro_ref[:, 2:3]
    dxr = rd_ref[:, 0:1]
    dyr = rd_ref[:, 1:2]
    dzr = rd_ref[:, 2:3]
    inv = 1.0 / jnp.sqrt(dxr * dxr + dyr * dyr + dzr * dzr + 1e-12)
    dx = dxr * inv
    dy = dyr * inv
    dz = dzr * inv

    gl = grep_ref[...]
    lane = lax.broadcasted_iota(jnp.int32, (R_TILE, NCAND), 1)
    pid = (gl // 128) * C_BLK + (gl % 128) + (lane % GPTS) * 128
    px = px_ref[...]
    py = py_ref[...]
    pz = pz_ref[...]
    ax = px - ox
    ay = py - oy
    az = pz - oz
    t = ax * dx + ay * dy + az * dz
    rx = ax - t * dx
    ry = ay - t * dy
    rz = az - t * dz
    d2 = rx * rx + ry * ry + rz * rz
    d = jnp.sqrt(jnp.maximum(d2, 1e-12))
    d = jnp.where(pid < n_real, d, BIG)

    lane128 = lax.broadcasted_iota(jnp.int32, (R_TILE, 128), 1)
    nv = jnp.full((R_TILE, 128), BIG, jnp.float32)
    nt = jnp.zeros((R_TILE, 128), jnp.float32)
    nc = jnp.full((R_TILE, 128), IBIG, jnp.int32)
    for k in range(KC):
        m = jnp.min(d, axis=1, keepdims=True)
        a = jnp.min(jnp.where(d == m, pid, IBIG), axis=1, keepdims=True)
        sel = pid == a
        tk = jnp.sum(jnp.where(sel, t, 0.0), axis=1, keepdims=True)
        d = jnp.where(sel, BIG, d)
        nv = jnp.where(lane128 == k, m, nv)
        nt = jnp.where(lane128 == k, tk, nt)
        nc = jnp.where(lane128 == k, a, nc)
    dist_out[...] = nv[:, 0:KC]
    t_out[...] = nt[:, 0:KC]
    idx_out[...] = nc[:, 0:KC]


def _gather_groups(table, idxf):
    B = idxf.shape[0]
    D = table.shape[1]
    info = plsc.get_sparse_core_info()
    NC, NS = info.num_cores, info.num_subcores
    NW = NC * NS
    nrow = B // 128
    rpw = nrow // NW
    idx3 = idxf.reshape(NW, rpw, 128)
    mesh = plsc.VectorSubcoreMesh(core_axis_name="c", subcore_axis_name="s")

    nb = rpw
    while nb * 128 * D > 110000:
        nb -= 1
        while rpw % nb:
            nb -= 1

    @functools.partial(
        pl.kernel, mesh=mesh,
        out_type=jax.ShapeDtypeStruct((NW, rpw, 128, D), jnp.float32),
        scratch_types=[
            pltpu.VMEM((rpw, 128), jnp.int32),
            pltpu.VMEM((nb, 128, D), jnp.float32),
            pltpu.SemaphoreType.DMA,
        ],
    )
    def gk(table_hbm, idx_hbm, out_hbm, idx_v, rows_v, sem):
        wid = lax.axis_index("s") * NC + lax.axis_index("c")
        pltpu.sync_copy(idx_hbm.at[wid], idx_v)
        for h in range(rpw // nb):
            copies = [
                pltpu.async_copy(
                    table_hbm.at[idx_v.at[h * nb + j]], rows_v.at[j], sem)
                for j in range(nb)
            ]
            for c in copies:
                c.wait()
            pltpu.sync_copy(rows_v, out_hbm.at[wid, pl.ds(h * nb, nb)])

    return gk(table, idx3).reshape(B, D)


def kernel(points, ray_o, ray_d):
    n_real = points.shape[0]
    n_rays = ray_o.shape[0]
    nblk = (n_real + C_BLK - 1) // C_BLK
    n_pad = nblk * C_BLK
    ng = nblk * 128

    pts_t = jnp.pad(points.T, ((0, 0), (0, n_pad - n_real)))
    arow = jnp.sum(points * points, axis=1)
    arow = jnp.pad(arow, (0, n_pad - n_real), constant_values=BIG)[None, :]
    pts_pad = jnp.pad(points, ((0, n_pad - n_real), (0, 0)))
    tbl = pts_pad.reshape(nblk, GPTS, 128, 3).transpose(0, 2, 1, 3)
    tbl = tbl.reshape(ng, GPTS * 3)
    tbl = jnp.pad(tbl, ((0, 0), (0, 128 - GPTS * 3)))

    grid = (n_rays // R_TILE,)
    gsel = pl.pallas_call(
        functools.partial(_group_body, n_pad),
        grid=grid,
        in_specs=[
            pl.BlockSpec((R_TILE, 3), lambda i: (i, 0)),
            pl.BlockSpec((R_TILE, 3), lambda i: (i, 0)),
            pl.BlockSpec((3, n_pad), lambda i: (0, 0)),
            pl.BlockSpec((1, n_pad), lambda i: (0, 0)),
        ],
        out_specs=pl.BlockSpec((R_TILE, NGSEL), lambda i: (i, 0)),
        out_shape=jax.ShapeDtypeStruct((n_rays, NGSEL), jnp.int32),
        scratch_shapes=[pltpu.VMEM((R_TILE, ng), jnp.float32)],
    )(ray_o, ray_d, pts_t, arow)

    gathered = _gather_groups(tbl, gsel.reshape(n_rays * NGSEL))
    gathered = gathered[:, 0:GPTS * 3]
    pxyz = gathered.reshape(n_rays, NGSEL, GPTS, 3).transpose(0, 3, 1, 2)
    pxyz = pxyz.reshape(n_rays, 3 * NCAND)
    px = pxyz[:, 0:NCAND]
    py = pxyz[:, NCAND:2 * NCAND]
    pz = pxyz[:, 2 * NCAND:3 * NCAND]
    grep = jnp.broadcast_to(gsel[:, :, None], (n_rays, NGSEL, GPTS))
    grep = grep.reshape(n_rays, NCAND)

    out_shapes = (
        jax.ShapeDtypeStruct((n_rays, KC), jnp.float32),
        jax.ShapeDtypeStruct((n_rays, KC), jnp.float32),
        jax.ShapeDtypeStruct((n_rays, KC), jnp.int32),
    )
    return pl.pallas_call(
        functools.partial(_cand_body, n_real),
        grid=grid,
        in_specs=[
            pl.BlockSpec((R_TILE, 3), lambda i: (i, 0)),
            pl.BlockSpec((R_TILE, 3), lambda i: (i, 0)),
            pl.BlockSpec((R_TILE, NCAND), lambda i: (i, 0)),
            pl.BlockSpec((R_TILE, NCAND), lambda i: (i, 0)),
            pl.BlockSpec((R_TILE, NCAND), lambda i: (i, 0)),
            pl.BlockSpec((R_TILE, NCAND), lambda i: (i, 0)),
        ],
        out_specs=(
            pl.BlockSpec((R_TILE, KC), lambda i: (i, 0)),
            pl.BlockSpec((R_TILE, KC), lambda i: (i, 0)),
            pl.BlockSpec((R_TILE, KC), lambda i: (i, 0)),
        ),
        out_shape=out_shapes,
    )(ray_o, ray_d, px, py, pz, grep)

# --- scband reference (transcript-rebuilt; emitter-appended) ---
"""Pipeline reference for scband-point-distance-raysampler-torch-83837761618469 (READ-ONLY COPY).

The authoritative reference and input builder live on the scoring server;
editing this copy changes nothing except your own understanding.
"""

import jax, jax.numpy as jnp
import numpy as np

N_PTS = 50000
N_RAYS = 2048
K_CLOSEST = 8


def setup_inputs(seed: int = 0) -> dict:
    key = jax.random.key(seed)
    k1, k2, k3 = jax.random.split(key, 3)
    points = jax.random.normal(k1, (N_PTS, 3), dtype=jnp.float32) * 20.0
    ray_o = jax.random.normal(k2, (N_RAYS, 3), dtype=jnp.float32)
    ray_d = jax.random.normal(k3, (N_RAYS, 3), dtype=jnp.float32)
    return {"points": points, "ray_o": ray_o, "ray_d": ray_d}


def reference(points, ray_o, ray_d):
    # Core kernel of PointDistanceRaysampler.compute_dist_ray_point:
    # perpendicular distance from every point to every ray, then pick
    # the k_closest points per ray (retrieval-knn over the point cloud).
    # Normalize ray directions (rays from a ray bundle are unit-length).
    d_norm = ray_d / jnp.sqrt(jnp.sum(ray_d * ray_d, axis=-1, keepdims=True) + 1e-12)
    # diff: [R, N, 3]
    diff = points[None, :, :] - ray_o[:, None, :]
    # projection of point offset onto ray direction: t [R, N]
    t = jnp.sum(diff * d_norm[:, None, :], axis=-1)
    # closest point on ray: [R, N, 3]
    proj = ray_o[:, None, :] + t[..., None] * d_norm[:, None, :]
    resid = points[None, :, :] - proj
    dist2 = jnp.sum(resid * resid, axis=-1)  # [R, N]
    dist = jnp.sqrt(jnp.maximum(dist2, 1e-12))
    # k closest points per ray via top_k on negated distance
    neg_topk, idx = jax.lax.top_k(-dist, K_CLOSEST)
    closest_dist = -neg_topk  # [R, K]
    # along-ray depth of the selected points (used as lengths by the sampler)
    t_sel = jnp.take_along_axis(t, idx, axis=1)  # [R, K]
    return closest_dist, t_sel, idx

if __name__ == "__main__":
    import jax
    _d = setup_inputs()
    print(jax.jit(kernel)(*tuple(_d.values())))

</pallas_src>

<mosaic_0001>
#map = affine_map<(d0, d1) -> (0, 0)>
#map1 = affine_map<(d0, d1) -> (0, 0, 0)>
#map2 = affine_map<(d0, d1) -> (0, 0, 0, 0)>
module attributes {stable_mosaic.version = 14 : i64} {
  func.func @gk(%arg0: i32, %arg1: i32, %arg2: memref<3200x128xf32, #tpu.memory_space<hbm>>, %arg3: memref<32x8x128xi32, #tpu.memory_space<hbm>>, %arg4: memref<32x8x128x128xf32, #tpu.memory_space<hbm>>, %arg5: memref<8x128xi32, #tpu.memory_space<vmem>>, %arg6: memref<4x128x128xf32, #tpu.memory_space<vmem>>, %arg7: memref<!tpu.dma_semaphore, #tpu.memory_space<semaphore_mem>>) attributes {dimension_semantics = [#tpu.dimension_semantics<core_parallel>, #tpu.dimension_semantics<subcore_parallel>], iteration_bounds = array<i64: 2, 16>, scalar_prefetch = 0 : i64, scratch_operands = 3 : i64, tpu.core_type = #tpu.core_type<sc_vector_subcore>, window_params = [{transform_indices = #map}, {transform_indices = #map1}, {transform_indices = #map2}]} {
    %mul3A = arith.constant 2 : i32
    %mul3A_0 = arith.muli %arg1, %mul3A : i32
    %add3A = arith.addi %mul3A_0, %arg0 : i32
    "tpu.region"() ({
      %run_scoped3A = tpu.sem_alloc : memref<!tpu.dma_semaphore, #tpu.memory_space<semaphore_mem>>
      %dma_start3A_191 = arith.constant 0 : i32
      %dma_start3A_192 = arith.constant 0 : i32
      %dma_start3A_193 = tpu.memref_slice %arg3[%add3A, %dma_start3A_191, %dma_start3A_192] : memref<32x8x128xi32, #tpu.memory_space<hbm>> -> memref<1x8x128xi32, #tpu.memory_space<hbm>>
      %dma_start3A_194 = tpu.memref_squeeze %dma_start3A_193 : memref<1x8x128xi32, #tpu.memory_space<hbm>> -> memref<8x128xi32, #tpu.memory_space<hbm>>
      %dma_start3A_195 = arith.constant 0 : i32
      %dma_start3A_196 = arith.constant 0 : i32
      %dma_start3A_197 = tpu.memref_slice %arg3[%add3A, %dma_start3A_195, %dma_start3A_196] : memref<32x8x128xi32, #tpu.memory_space<hbm>> -> memref<1x8x128xi32, #tpu.memory_space<hbm>>
      %dma_start3A_198 = tpu.memref_squeeze %dma_start3A_197 : memref<1x8x128xi32, #tpu.memory_space<hbm>> -> memref<8x128xi32, #tpu.memory_space<hbm>>
      tpu.enqueue_dma source(%dma_start3A_198 : memref<8x128xi32, #tpu.memory_space<hbm>>) target(%arg5 : memref<8x128xi32, #tpu.memory_space<vmem>>) target_semaphore(%run_scoped3A : memref<!tpu.dma_semaphore, #tpu.memory_space<semaphore_mem>>)
      %dma_wait3A_199 = arith.constant 0 : i32
      %dma_wait3A_200 = arith.constant 0 : i32
      %dma_wait3A_201 = tpu.memref_slice %arg3[%add3A, %dma_wait3A_199, %dma_wait3A_200] : memref<32x8x128xi32, #tpu.memory_space<hbm>> -> memref<1x8x128xi32, #tpu.memory_space<hbm>>
      %dma_wait3A_202 = tpu.memref_squeeze %dma_wait3A_201 : memref<1x8x128xi32, #tpu.memory_space<hbm>> -> memref<8x128xi32, #tpu.memory_space<hbm>>
      %dma_wait3A_203 = arith.constant 0 : i32
      %dma_wait3A_204 = arith.constant 0 : i32
      %dma_wait3A_205 = tpu.memref_slice %arg3[%add3A, %dma_wait3A_203, %dma_wait3A_204] : memref<32x8x128xi32, #tpu.memory_space<hbm>> -> memref<1x8x128xi32, #tpu.memory_space<hbm>>
      %dma_wait3A_206 = tpu.memref_squeeze %dma_wait3A_205 : memref<1x8x128xi32, #tpu.memory_space<hbm>> -> memref<8x128xi32, #tpu.memory_space<hbm>>
      tpu.wait_dma2 semaphore(%run_scoped3A : memref<!tpu.dma_semaphore, #tpu.memory_space<semaphore_mem>>) src(%dma_wait3A_206 : memref<8x128xi32, #tpu.memory_space<hbm>>) dst(%arg5 : memref<8x128xi32, #tpu.memory_space<vmem>>)
      tpu.yield
    }) : () -> ()
    %dma_start3A = arith.constant 0 : i32
    %dma_start3A_1 = arith.constant 0 : i32
    %dma_start3A_2 = arith.constant 0 : i32
    %dma_start3A_3 = arith.constant 0 : i32
    %dma_start3A_4 = tpu.memref_slice %arg6[%dma_start3A_1, %dma_start3A_2, %dma_start3A_3] : memref<4x128x128xf32, #tpu.memory_space<vmem>> -> memref<1x128x128xf32, #tpu.memory_space<vmem>>
    %dma_start3A_5 = tpu.memref_squeeze %dma_start3A_4 : memref<1x128x128xf32, #tpu.memory_space<vmem>> -> memref<128x128xf32, #tpu.memory_space<vmem>>
    %dma_start3A_6 = arith.constant 0 : i32
    %dma_start3A_7 = tpu.memref_slice %arg5[%dma_start3A, %dma_start3A_6] : memref<8x128xi32, #tpu.memory_space<vmem>> -> memref<1x128xi32, #tpu.memory_space<vmem>>
    %dma_start3A_8 = tpu.memref_squeeze %dma_start3A_7 : memref<1x128xi32, #tpu.memory_space<vmem>> -> memref<128xi32, #tpu.memory_space<vmem>>
    %dma_start3A_9 = arith.constant 0 : i32
    %dma_start3A_10 = arith.constant 0 : i32
    %dma_start3A_11 = tpu.memref_slice %arg2[%dma_start3A_9, %dma_start3A_10] : memref<3200x128xf32, #tpu.memory_space<hbm>> -> memref<3200x128xf32, #tpu.memory_space<hbm>>
    tpu.enqueue_indirect_dma source(%dma_start3A_11 : memref<3200x128xf32, #tpu.memory_space<hbm>>) target(%dma_start3A_5 : memref<128x128xf32, #tpu.memory_space<vmem>>) offsets(%dma_start3A_8 : memref<128xi32, #tpu.memory_space<vmem>>) semaphore(%arg7 : memref<!tpu.dma_semaphore, #tpu.memory_space<semaphore_mem>>)
    %dma_start3A_12 = arith.constant 1 : i32
    %dma_start3A_13 = arith.constant 1 : i32
    %dma_start3A_14 = arith.constant 0 : i32
    %dma_start3A_15 = arith.constant 0 : i32
    %dma_start3A_16 = tpu.memref_slice %arg6[%dma_start3A_13, %dma_start3A_14, %dma_start3A_15] : memref<4x128x128xf32, #tpu.memory_space<vmem>> -> memref<1x128x128xf32, #tpu.memory_space<vmem>>
    %dma_start3A_17 = tpu.memref_squeeze %dma_start3A_16 : memref<1x128x128xf32, #tpu.memory_space<vmem>> -> memref<128x128xf32, #tpu.memory_space<vmem>>
    %dma_start3A_18 = arith.constant 0 : i32
    %dma_start3A_19 = tpu.memref_slice %arg5[%dma_start3A_12, %dma_start3A_18] : memref<8x128xi32, #tpu.memory_space<vmem>> -> memref<1x128xi32, #tpu.memory_space<vmem>>
    %dma_start3A_20 = tpu.memref_squeeze %dma_start3A_19 : memref<1x128xi32, #tpu.memory_space<vmem>> -> memref<128xi32, #tpu.memory_space<vmem>>
    %dma_start3A_21 = arith.constant 0 : i32
    %dma_start3A_22 = arith.constant 0 : i32
    %dma_start3A_23 = tpu.memref_slice %arg2[%dma_start3A_21, %dma_start3A_22] : memref<3200x128xf32, #tpu.memory_space<hbm>> -> memref<3200x128xf32, #tpu.memory_space<hbm>>
    tpu.enqueue_indirect_dma source(%dma_start3A_23 : memref<3200x128xf32, #tpu.memory_space<hbm>>) target(%dma_start3A_17 : memref<128x128xf32, #tpu.memory_space<vmem>>) offsets(%dma_start3A_20 : memref<128xi32, #tpu.memory_space<vmem>>) semaphore(%arg7 : memref<!tpu.dma_semaphore, #tpu.memory_space<semaphore_mem>>)
    %dma_start3A_24 = arith.constant 2 : i32
    %dma_start3A_25 = arith.constant 2 : i32
    %dma_start3A_26 = arith.constant 0 : i32
    %dma_start3A_27 = arith.constant 0 : i32
    %dma_start3A_28 = tpu.memref_slice %arg6[%dma_start3A_25, %dma_start3A_26, %dma_start3A_27] : memref<4x128x128xf32, #tpu.memory_space<vmem>> -> memref<1x128x128xf32, #tpu.memory_space<vmem>>
    %dma_start3A_29 = tpu.memref_squeeze %dma_start3A_28 : memref<1x128x128xf32, #tpu.memory_space<vmem>> -> memref<128x128xf32, #tpu.memory_space<vmem>>
    %dma_start3A_30 = arith.constant 0 : i32
    %dma_start3A_31 = tpu.memref_slice %arg5[%dma_start3A_24, %dma_start3A_30] : memref<8x128xi32, #tpu.memory_space<vmem>> -> memref<1x128xi32, #tpu.memory_space<vmem>>
    %dma_start3A_32 = tpu.memref_squeeze %dma_start3A_31 : memref<1x128xi32, #tpu.memory_space<vmem>> -> memref<128xi32, #tpu.memory_space<vmem>>
    %dma_start3A_33 = arith.constant 0 : i32
    %dma_start3A_34 = arith.constant 0 : i32
    %dma_start3A_35 = tpu.memref_slice %arg2[%dma_start3A_33, %dma_start3A_34] : memref<3200x128xf32, #tpu.memory_space<hbm>> -> memref<3200x128xf32, #tpu.memory_space<hbm>>
    tpu.enqueue_indirect_dma source(%dma_start3A_35 : memref<3200x128xf32, #tpu.memory_space<hbm>>) target(%dma_start3A_29 : memref<128x128xf32, #tpu.memory_space<vmem>>) offsets(%dma_start3A_32 : memref<128xi32, #tpu.memory_space<vmem>>) semaphore(%arg7 : memref<!tpu.dma_semaphore, #tpu.memory_space<semaphore_mem>>)
    %dma_start3A_36 = arith.constant 3 : i32
    %dma_start3A_37 = arith.constant 3 : i32
    %dma_start3A_38 = arith.constant 0 : i32
    %dma_start3A_39 = arith.constant 0 : i32
    %dma_start3A_40 = tpu.memref_slice %arg6[%dma_start3A_37, %dma_start3A_38, %dma_start3A_39] : memref<4x128x128xf32, #tpu.memory_space<vmem>> -> memref<1x128x128xf32, #tpu.memory_space<vmem>>
    %dma_start3A_41 = tpu.memref_squeeze %dma_start3A_40 : memref<1x128x128xf32, #tpu.memory_space<vmem>> -> memref<128x128xf32, #tpu.memory_space<vmem>>
    %dma_start3A_42 = arith.constant 0 : i32
    %dma_start3A_43 = tpu.memref_slice %arg5[%dma_start3A_36, %dma_start3A_42] : memref<8x128xi32, #tpu.memory_space<vmem>> -> memref<1x128xi32, #tpu.memory_space<vmem>>
    %dma_start3A_44 = tpu.memref_squeeze %dma_start3A_43 : memref<1x128xi32, #tpu.memory_space<vmem>> -> memref<128xi32, #tpu.memory_space<vmem>>
    %dma_start3A_45 = arith.constant 0 : i32
    %dma_start3A_46 = arith.constant 0 : i32
    %dma_start3A_47 = tpu.memref_slice %arg2[%dma_start3A_45, %dma_start3A_46] : memref<3200x128xf32, #tpu.memory_space<hbm>> -> memref<3200x128xf32, #tpu.memory_space<hbm>>
    tpu.enqueue_indirect_dma source(%dma_start3A_47 : memref<3200x128xf32, #tpu.memory_space<hbm>>) target(%dma_start3A_41 : memref<128x128xf32, #tpu.memory_space<vmem>>) offsets(%dma_start3A_44 : memref<128xi32, #tpu.memory_space<vmem>>) semaphore(%arg7 : memref<!tpu.dma_semaphore, #tpu.memory_space<semaphore_mem>>)
    %dma_wait3A = arith.constant 0 : i32
    %dma_wait3A_48 = arith.constant 0 : i32
    %dma_wait3A_49 = arith.constant 0 : i32
    %dma_wait3A_50 = arith.constant 0 : i32
    %dma_wait3A_51 = tpu.memref_slice %arg6[%dma_wait3A_48, %dma_wait3A_49, %dma_wait3A_50] : memref<4x128x128xf32, #tpu.memory_space<vmem>> -> memref<1x128x128xf32, #tpu.memory_space<vmem>>
    %dma_wait3A_52 = tpu.memref_squeeze %dma_wait3A_51 : memref<1x128x128xf32, #tpu.memory_space<vmem>> -> memref<128x128xf32, #tpu.memory_space<vmem>>
    %dma_wait3A_53 = arith.constant 0 : i32
    %dma_wait3A_54 = tpu.memref_slice %arg5[%dma_wait3A, %dma_wait3A_53] : memref<8x128xi32, #tpu.memory_space<vmem>> -> memref<1x128xi32, #tpu.memory_space<vmem>>
    %dma_wait3A_55 = tpu.memref_squeeze %dma_wait3A_54 : memref<1x128xi32, #tpu.memory_space<vmem>> -> memref<128xi32, #tpu.memory_space<vmem>>
    %dma_wait3A_56 = arith.constant 0 : i32
    %dma_wait3A_57 = arith.constant 0 : i32
    %dma_wait3A_58 = tpu.memref_slice %arg2[%dma_wait3A_56, %dma_wait3A_57] : memref<3200x128xf32, #tpu.memory_space<hbm>> -> memref<3200x128xf32, #tpu.memory_space<hbm>>
    tpu.wait_indirect_dma semaphore(%arg7 : memref<!tpu.dma_semaphore, #tpu.memory_space<semaphore_mem>>) src(%dma_wait3A_58 : memref<3200x128xf32, #tpu.memory_space<hbm>>) dst(%dma_wait3A_52 : memref<128x128xf32, #tpu.memory_space<vmem>>)
    %dma_wait3A_59 = arith.constant 1 : i32
    %dma_wait3A_60 = arith.constant 1 : i32
    %dma_wait3A_61 = arith.constant 0 : i32
    %dma_wait3A_62 = arith.constant 0 : i32
    %dma_wait3A_63 = tpu.memref_slice %arg6[%dma_wait3A_60, %dma_wait3A_61, %dma_wait3A_62] : memref<4x128x128xf32, #tpu.memory_space<vmem>> -> memref<1x128x128xf32, #tpu.memory_space<vmem>>
    %dma_wait3A_64 = tpu.memref_squeeze %dma_wait3A_63 : memref<1x128x128xf32, #tpu.memory_space<vmem>> -> memref<128x128xf32, #tpu.memory_space<vmem>>
    %dma_wait3A_65 = arith.constant 0 : i32
    %dma_wait3A_66 = tpu.memref_slice %arg5[%dma_wait3A_59, %dma_wait3A_65] : memref<8x128xi32, #tpu.memory_space<vmem>> -> memref<1x128xi32, #tpu.memory_space<vmem>>
    %dma_wait3A_67 = tpu.memref_squeeze %dma_wait3A_66 : memref<1x128xi32, #tpu.memory_space<vmem>> -> memref<128xi32, #tpu.memory_space<vmem>>
    %dma_wait3A_68 = arith.constant 0 : i32
    %dma_wait3A_69 = arith.constant 0 : i32
    %dma_wait3A_70 = tpu.memref_slice %arg2[%dma_wait3A_68, %dma_wait3A_69] : memref<3200x128xf32, #tpu.memory_space<hbm>> -> memref<3200x128xf32, #tpu.memory_space<hbm>>
    tpu.wait_indirect_dma semaphore(%arg7 : memref<!tpu.dma_semaphore, #tpu.memory_space<semaphore_mem>>) src(%dma_wait3A_70 : memref<3200x128xf32, #tpu.memory_space<hbm>>) dst(%dma_wait3A_64 : memref<128x128xf32, #tpu.memory_space<vmem>>)
    %dma_wait3A_71 = arith.constant 2 : i32
    %dma_wait3A_72 = arith.constant 2 : i32
    %dma_wait3A_73 = arith.constant 0 : i32
    %dma_wait3A_74 = arith.constant 0 : i32
    %dma_wait3A_75 = tpu.memref_slice %arg6[%dma_wait3A_72, %dma_wait3A_73, %dma_wait3A_74] : memref<4x128x128xf32, #tpu.memory_space<vmem>> -> memref<1x128x128xf32, #tpu.memory_space<vmem>>
    %dma_wait3A_76 = tpu.memref_squeeze %dma_wait3A_75 : memref<1x128x128xf32, #tpu.memory_space<vmem>> -> memref<128x128xf32, #tpu.memory_space<vmem>>
    %dma_wait3A_77 = arith.constant 0 : i32
    %dma_wait3A_78 = tpu.memref_slice %arg5[%dma_wait3A_71, %dma_wait3A_77] : memref<8x128xi32, #tpu.memory_space<vmem>> -> memref<1x128xi32, #tpu.memory_space<vmem>>
    %dma_wait3A_79 = tpu.memref_squeeze %dma_wait3A_78 : memref<1x128xi32, #tpu.memory_space<vmem>> -> memref<128xi32, #tpu.memory_space<vmem>>
    %dma_wait3A_80 = arith.constant 0 : i32
    %dma_wait3A_81 = arith.constant 0 : i32
    %dma_wait3A_82 = tpu.memref_slice %arg2[%dma_wait3A_80, %dma_wait3A_81] : memref<3200x128xf32, #tpu.memory_space<hbm>> -> memref<3200x128xf32, #tpu.memory_space<hbm>>
    tpu.wait_indirect_dma semaphore(%arg7 : memref<!tpu.dma_semaphore, #tpu.memory_space<semaphore_mem>>) src(%dma_wait3A_82 : memref<3200x128xf32, #tpu.memory_space<hbm>>) dst(%dma_wait3A_76 : memref<128x128xf32, #tpu.memory_space<vmem>>)
    %dma_wait3A_83 = arith.constant 3 : i32
    %dma_wait3A_84 = arith.constant 3 : i32
    %dma_wait3A_85 = arith.constant 0 : i32
    %dma_wait3A_86 = arith.constant 0 : i32
    %dma_wait3A_87 = tpu.memref_slice %arg6[%dma_wait3A_84, %dma_wait3A_85, %dma_wait3A_86] : memref<4x128x128xf32, #tpu.memory_space<vmem>> -> memref<1x128x128xf32, #tpu.memory_space<vmem>>
    %dma_wait3A_88 = tpu.memref_squeeze %dma_wait3A_87 : memref<1x128x128xf32, #tpu.memory_space<vmem>> -> memref<128x128xf32, #tpu.memory_space<vmem>>
    %dma_wait3A_89 = arith.constant 0 : i32
    %dma_wait3A_90 = tpu.memref_slice %arg5[%dma_wait3A_83, %dma_wait3A_89] : memref<8x128xi32, #tpu.memory_space<vmem>> -> memref<1x128xi32, #tpu.memory_space<vmem>>
    %dma_wait3A_91 = tpu.memref_squeeze %dma_wait3A_90 : memref<1x128xi32, #tpu.memory_space<vmem>> -> memref<128xi32, #tpu.memory_space<vmem>>
    %dma_wait3A_92 = arith.constant 0 : i32
    %dma_wait3A_93 = arith.constant 0 : i32
    %dma_wait3A_94 = tpu.memref_slice %arg2[%dma_wait3A_92, %dma_wait3A_93] : memref<3200x128xf32, #tpu.memory_space<hbm>> -> memref<3200x128xf32, #tpu.memory_space<hbm>>
    tpu.wait_indirect_dma semaphore(%arg7 : memref<!tpu.dma_semaphore, #tpu.memory_space<semaphore_mem>>) src(%dma_wait3A_94 : memref<3200x128xf32, #tpu.memory_space<hbm>>) dst(%dma_wait3A_88 : memref<128x128xf32, #tpu.memory_space<vmem>>)
    "tpu.region"() ({
      %run_scoped3A = tpu.sem_alloc : memref<!tpu.dma_semaphore, #tpu.memory_space<semaphore_mem>>
      %dma_start3A_191 = arith.constant 0 : i32
      %dma_start3A_192 = arith.constant 0 : i32
      %dma_start3A_193 = arith.constant 0 : i32
      %dma_start3A_194 = tpu.memref_slice %arg4[%add3A, %dma_start3A_191, %dma_start3A_192, %dma_start3A_193] : memref<32x8x128x128xf32, #tpu.memory_space<hbm>> -> memref<1x4x128x128xf32, #tpu.memory_space<hbm>>
      %dma_start3A_195 = tpu.memref_squeeze %dma_start3A_194 : memref<1x4x128x128xf32, #tpu.memory_space<hbm>> -> memref<4x128x128xf32, #tpu.memory_space<hbm>>
      %dma_start3A_196 = arith.constant 0 : i32
      %dma_start3A_197 = arith.constant 0 : i32
      %dma_start3A_198 = arith.constant 0 : i32
      %dma_start3A_199 = tpu.memref_slice %arg4[%add3A, %dma_start3A_196, %dma_start3A_197, %dma_start3A_198] : memref<32x8x128x128xf32, #tpu.memory_space<hbm>> -> memref<1x4x128x128xf32, #tpu.memory_space<hbm>>
      %dma_start3A_200 = tpu.memref_squeeze %dma_start3A_199 : memref<1x4x128x128xf32, #tpu.memory_space<hbm>> -> memref<4x128x128xf32, #tpu.memory_space<hbm>>
      tpu.enqueue_dma source(%arg6 : memref<4x128x128xf32, #tpu.memory_space<vmem>>) target(%dma_start3A_200 : memref<4x128x128xf32, #tpu.memory_space<hbm>>) target_semaphore(%run_scoped3A : memref<!tpu.dma_semaphore, #tpu.memory_space<semaphore_mem>>)
      %dma_wait3A_201 = arith.constant 0 : i32
      %dma_wait3A_202 = arith.constant 0 : i32
      %dma_wait3A_203 = arith.constant 0 : i32
      %dma_wait3A_204 = tpu.memref_slice %arg4[%add3A, %dma_wait3A_201, %dma_wait3A_202, %dma_wait3A_203] : memref<32x8x128x128xf32, #tpu.memory_space<hbm>> -> memref<1x4x128x128xf32, #tpu.memory_space<hbm>>
      %dma_wait3A_205 = tpu.memref_squeeze %dma_wait3A_204 : memref<1x4x128x128xf32, #tpu.memory_space<hbm>> -> memref<4x128x128xf32, #tpu.memory_space<hbm>>
      %dma_wait3A_206 = arith.constant 0 : i32
      %dma_wait3A_207 = arith.constant 0 : i32
      %dma_wait3A_208 = arith.constant 0 : i32
      %dma_wait3A_209 = tpu.memref_slice %arg4[%add3A, %dma_wait3A_206, %dma_wait3A_207, %dma_wait3A_208] : memref<32x8x128x128xf32, #tpu.memory_space<hbm>> -> memref<1x4x128x128xf32, #tpu.memory_space<hbm>>
      %dma_wait3A_210 = tpu.memref_squeeze %dma_wait3A_209 : memref<1x4x128x128xf32, #tpu.memory_space<hbm>> -> memref<4x128x128xf32, #tpu.memory_space<hbm>>
      tpu.wait_dma2 semaphore(%run_scoped3A : memref<!tpu.dma_semaphore, #tpu.memory_space<semaphore_mem>>) src(%arg6 : memref<4x128x128xf32, #tpu.memory_space<vmem>>) dst(%dma_wait3A_210 : memref<4x128x128xf32, #tpu.memory_space<hbm>>)
      tpu.yield
    }) : () -> ()
    %dma_start3A_95 = arith.constant 4 : i32
    %dma_start3A_96 = arith.constant 0 : i32
    %dma_start3A_97 = arith.constant 0 : i32
    %dma_start3A_98 = arith.constant 0 : i32
    %dma_start3A_99 = tpu.memref_slice %arg6[%dma_start3A_96, %dma_start3A_97, %dma_start3A_98] : memref<4x128x128xf32, #tpu.memory_space<vmem>> -> memref<1x128x128xf32, #tpu.memory_space<vmem>>
    %dma_start3A_100 = tpu.memref_squeeze %dma_start3A_99 : memref<1x128x128xf32, #tpu.memory_space<vmem>> -> memref<128x128xf32, #tpu.memory_space<vmem>>
    %dma_start3A_101 = arith.constant 0 : i32
    %dma_start3A_102 = tpu.memref_slice %arg5[%dma_start3A_95, %dma_start3A_101] : memref<8x128xi32, #tpu.memory_space<vmem>> -> memref<1x128xi32, #tpu.memory_space<vmem>>
    %dma_start3A_103 = tpu.memref_squeeze %dma_start3A_102 : memref<1x128xi32, #tpu.memory_space<vmem>> -> memref<128xi32, #tpu.memory_space<vmem>>
    %dma_start3A_104 = arith.constant 0 : i32
    %dma_start3A_105 = arith.constant 0 : i32
    %dma_start3A_106 = tpu.memref_slice %arg2[%dma_start3A_104, %dma_start3A_105] : memref<3200x128xf32, #tpu.memory_space<hbm>> -> memref<3200x128xf32, #tpu.memory_space<hbm>>
    tpu.enqueue_indirect_dma source(%dma_start3A_106 : memref<3200x128xf32, #tpu.memory_space<hbm>>) target(%dma_start3A_100 : memref<128x128xf32, #tpu.memory_space<vmem>>) offsets(%dma_start3A_103 : memref<128xi32, #tpu.memory_space<vmem>>) semaphore(%arg7 : memref<!tpu.dma_semaphore, #tpu.memory_space<semaphore_mem>>)
    %dma_start3A_107 = arith.constant 5 : i32
    %dma_start3A_108 = arith.constant 1 : i32
    %dma_start3A_109 = arith.constant 0 : i32
    %dma_start3A_110 = arith.constant 0 : i32
    %dma_start3A_111 = tpu.memref_slice %arg6[%dma_start3A_108, %dma_start3A_109, %dma_start3A_110] : memref<4x128x128xf32, #tpu.memory_space<vmem>> -> memref<1x128x128xf32, #tpu.memory_space<vmem>>
    %dma_start3A_112 = tpu.memref_squeeze %dma_start3A_111 : memref<1x128x128xf32, #tpu.memory_space<vmem>> -> memref<128x128xf32, #tpu.memory_space<vmem>>
    %dma_start3A_113 = arith.constant 0 : i32
    %dma_start3A_114 = tpu.memref_slice %arg5[%dma_start3A_107, %dma_start3A_113] : memref<8x128xi32, #tpu.memory_space<vmem>> -> memref<1x128xi32, #tpu.memory_space<vmem>>
    %dma_start3A_115 = tpu.memref_squeeze %dma_start3A_114 : memref<1x128xi32, #tpu.memory_space<vmem>> -> memref<128xi32, #tpu.memory_space<vmem>>
    %dma_start3A_116 = arith.constant 0 : i32
    %dma_start3A_117 = arith.constant 0 : i32
    %dma_start3A_118 = tpu.memref_slice %arg2[%dma_start3A_116, %dma_start3A_117] : memref<3200x128xf32, #tpu.memory_space<hbm>> -> memref<3200x128xf32, #tpu.memory_space<hbm>>
    tpu.enqueue_indirect_dma source(%dma_start3A_118 : memref<3200x128xf32, #tpu.memory_space<hbm>>) target(%dma_start3A_112 : memref<128x128xf32, #tpu.memory_space<vmem>>) offsets(%dma_start3A_115 : memref<128xi32, #tpu.memory_space<vmem>>) semaphore(%arg7 : memref<!tpu.dma_semaphore, #tpu.memory_space<semaphore_mem>>)
    %dma_start3A_119 = arith.constant 6 : i32
    %dma_start3A_120 = arith.constant 2 : i32
    %dma_start3A_121 = arith.constant 0 : i32
    %dma_start3A_122 = arith.constant 0 : i32
    %dma_start3A_123 = tpu.memref_slice %arg6[%dma_start3A_120, %dma_start3A_121, %dma_start3A_122] : memref<4x128x128xf32, #tpu.memory_space<vmem>> -> memref<1x128x128xf32, #tpu.memory_space<vmem>>
    %dma_start3A_124 = tpu.memref_squeeze %dma_start3A_123 : memref<1x128x128xf32, #tpu.memory_space<vmem>> -> memref<128x128xf32, #tpu.memory_space<vmem>>
    %dma_start3A_125 = arith.constant 0 : i32
    %dma_start3A_126 = tpu.memref_slice %arg5[%dma_start3A_119, %dma_start3A_125] : memref<8x128xi32, #tpu.memory_space<vmem>> -> memref<1x128xi32, #tpu.memory_space<vmem>>
    %dma_start3A_127 = tpu.memref_squeeze %dma_start3A_126 : memref<1x128xi32, #tpu.memory_space<vmem>> -> memref<128xi32, #tpu.memory_space<vmem>>
    %dma_start3A_128 = arith.constant 0 : i32
    %dma_start3A_129 = arith.constant 0 : i32
    %dma_start3A_130 = tpu.memref_slice %arg2[%dma_start3A_128, %dma_start3A_129] : memref<3200x128xf32, #tpu.memory_space<hbm>> -> memref<3200x128xf32, #tpu.memory_space<hbm>>
    tpu.enqueue_indirect_dma source(%dma_start3A_130 : memref<3200x128xf32, #tpu.memory_space<hbm>>) target(%dma_start3A_124 : memref<128x128xf32, #tpu.memory_space<vmem>>) offsets(%dma_start3A_127 : memref<128xi32, #tpu.memory_space<vmem>>) semaphore(%arg7 : memref<!tpu.dma_semaphore, #tpu.memory_space<semaphore_mem>>)
    %dma_start3A_131 = arith.constant 7 : i32
    %dma_start3A_132 = arith.constant 3 : i32
    %dma_start3A_133 = arith.constant 0 : i32
    %dma_start3A_134 = arith.constant 0 : i32
    %dma_start3A_135 = tpu.memref_slice %arg6[%dma_start3A_132, %dma_start3A_133, %dma_start3A_134] : memref<4x128x128xf32, #tpu.memory_space<vmem>> -> memref<1x128x128xf32, #tpu.memory_space<vmem>>
    %dma_start3A_136 = tpu.memref_squeeze %dma_start3A_135 : memref<1x128x128xf32, #tpu.memory_space<vmem>> -> memref<128x128xf32, #tpu.memory_space<vmem>>
    %dma_start3A_137 = arith.constant 0 : i32
    %dma_start3A_138 = tpu.memref_slice %arg5[%dma_start3A_131, %dma_start3A_137] : memref<8x128xi32, #tpu.memory_space<vmem>> -> memref<1x128xi32, #tpu.memory_space<vmem>>
    %dma_start3A_139 = tpu.memref_squeeze %dma_start3A_138 : memref<1x128xi32, #tpu.memory_space<vmem>> -> memref<128xi32, #tpu.memory_space<vmem>>
    %dma_start3A_140 = arith.constant 0 : i32
    %dma_start3A_141 = arith.constant 0 : i32
    %dma_start3A_142 = tpu.memref_slice %arg2[%dma_start3A_140, %dma_start3A_141] : memref<3200x128xf32, #tpu.memory_space<hbm>> -> memref<3200x128xf32, #tpu.memory_space<hbm>>
    tpu.enqueue_indirect_dma source(%dma_start3A_142 : memref<3200x128xf32, #tpu.memory_space<hbm>>) target(%dma_start3A_136 : memref<128x128xf32, #tpu.memory_space<vmem>>) offsets(%dma_start3A_139 : memref<128xi32, #tpu.memory_space<vmem>>) semaphore(%arg7 : memref<!tpu.dma_semaphore, #tpu.memory_space<semaphore_mem>>)
    %dma_wait3A_143 = arith.constant 4 : i32
    %dma_wait3A_144 = arith.constant 0 : i32
    %dma_wait3A_145 = arith.constant 0 : i32
    %dma_wait3A_146 = arith.constant 0 : i32
    %dma_wait3A_147 = tpu.memref_slice %arg6[%dma_wait3A_144, %dma_wait3A_145, %dma_wait3A_146] : memref<4x128x128xf32, #tpu.memory_space<vmem>> -> memref<1x128x128xf32, #tpu.memory_space<vmem>>
    %dma_wait3A_148 = tpu.memref_squeeze %dma_wait3A_147 : memref<1x128x128xf32, #tpu.memory_space<vmem>> -> memref<128x128xf32, #tpu.memory_space<vmem>>
    %dma_wait3A_149 = arith.constant 0 : i32
    %dma_wait3A_150 = tpu.memref_slice %arg5[%dma_wait3A_143, %dma_wait3A_149] : memref<8x128xi32, #tpu.memory_space<vmem>> -> memref<1x128xi32, #tpu.memory_space<vmem>>
    %dma_wait3A_151 = tpu.memref_squeeze %dma_wait3A_150 : memref<1x128xi32, #tpu.memory_space<vmem>> -> memref<128xi32, #tpu.memory_space<vmem>>
    %dma_wait3A_152 = arith.constant 0 : i32
    %dma_wait3A_153 = arith.constant 0 : i32
    %dma_wait3A_154 = tpu.memref_slice %arg2[%dma_wait3A_152, %dma_wait3A_153] : memref<3200x128xf32, #tpu.memory_space<hbm>> -> memref<3200x128xf32, #tpu.memory_space<hbm>>
    tpu.wait_indirect_dma semaphore(%arg7 : memref<!tpu.dma_semaphore, #tpu.memory_space<semaphore_mem>>) src(%dma_wait3A_154 : memref<3200x128xf32, #tpu.memory_space<hbm>>) dst(%dma_wait3A_148 : memref<128x128xf32, #tpu.memory_space<vmem>>)
    %dma_wait3A_155 = arith.constant 5 : i32
    %dma_wait3A_156 = arith.constant 1 : i32
    %dma_wait3A_157 = arith.constant 0 : i32
    %dma_wait3A_158 = arith.constant 0 : i32
    %dma_wait3A_159 = tpu.memref_slice %arg6[%dma_wait3A_156, %dma_wait3A_157, %dma_wait3A_158] : memref<4x128x128xf32, #tpu.memory_space<vmem>> -> memref<1x128x128xf32, #tpu.memory_space<vmem>>
    %dma_wait3A_160 = tpu.memref_squeeze %dma_wait3A_159 : memref<1x128x128xf32, #tpu.memory_space<vmem>> -> memref<128x128xf32, #tpu.memory_space<vmem>>
    %dma_wait3A_161 = arith.constant 0 : i32
    %dma_wait3A_162 = tpu.memref_slice %arg5[%dma_wait3A_155, %dma_wait3A_161] : memref<8x128xi32, #tpu.memory_space<vmem>> -> memref<1x128xi32, #tpu.memory_space<vmem>>
    %dma_wait3A_163 = tpu.memref_squeeze %dma_wait3A_162 : memref<1x128xi32, #tpu.memory_space<vmem>> -> memref<128xi32, #tpu.memory_space<vmem>>
    %dma_wait3A_164 = arith.constant 0 : i32
    %dma_wait3A_165 = arith.constant 0 : i32
    %dma_wait3A_166 = tpu.memref_slice %arg2[%dma_wait3A_164, %dma_wait3A_165] : memref<3200x128xf32, #tpu.memory_space<hbm>> -> memref<3200x128xf32, #tpu.memory_space<hbm>>
    tpu.wait_indirect_dma semaphore(%arg7 : memref<!tpu.dma_semaphore, #tpu.memory_space<semaphore_mem>>) src(%dma_wait3A_166 : memref<3200x128xf32, #tpu.memory_space<hbm>>) dst(%dma_wait3A_160 : memref<128x128xf32, #tpu.memory_space<vmem>>)
    %dma_wait3A_167 = arith.constant 6 : i32
    %dma_wait3A_168 = arith.constant 2 : i32
    %dma_wait3A_169 = arith.constant 0 : i32
    %dma_wait3A_170 = arith.constant 0 : i32
    %dma_wait3A_171 = tpu.memref_slice %arg6[%dma_wait3A_168, %dma_wait3A_169, %dma_wait3A_170] : memref<4x128x128xf32, #tpu.memory_space<vmem>> -> memref<1x128x128xf32, #tpu.memory_space<vmem>>
    %dma_wait3A_172 = tpu.memref_squeeze %dma_wait3A_171 : memref<1x128x128xf32, #tpu.memory_space<vmem>> -> memref<128x128xf32, #tpu.memory_space<vmem>>
    %dma_wait3A_173 = arith.constant 0 : i32
    %dma_wait3A_174 = tpu.memref_slice %arg5[%dma_wait3A_167, %dma_wait3A_173] : memref<8x128xi32, #tpu.memory_space<vmem>> -> memref<1x128xi32, #tpu.memory_space<vmem>>
    %dma_wait3A_175 = tpu.memref_squeeze %dma_wait3A_174 : memref<1x128xi32, #tpu.memory_space<vmem>> -> memref<128xi32, #tpu.memory_space<vmem>>
    %dma_wait3A_176 = arith.constant 0 : i32
    %dma_wait3A_177 = arith.constant 0 : i32
    %dma_wait3A_178 = tpu.memref_slice %arg2[%dma_wait3A_176, %dma_wait3A_177] : memref<3200x128xf32, #tpu.memory_space<hbm>> -> memref<3200x128xf32, #tpu.memory_space<hbm>>
    tpu.wait_indirect_dma semaphore(%arg7 : memref<!tpu.dma_semaphore, #tpu.memory_space<semaphore_mem>>) src(%dma_wait3A_178 : memref<3200x128xf32, #tpu.memory_space<hbm>>) dst(%dma_wait3A_172 : memref<128x128xf32, #tpu.memory_space<vmem>>)
    %dma_wait3A_179 = arith.constant 7 : i32
    %dma_wait3A_180 = arith.constant 3 : i32
    %dma_wait3A_181 = arith.constant 0 : i32
    %dma_wait3A_182 = arith.constant 0 : i32
    %dma_wait3A_183 = tpu.memref_slice %arg6[%dma_wait3A_180, %dma_wait3A_181, %dma_wait3A_182] : memref<4x128x128xf32, #tpu.memory_space<vmem>> -> memref<1x128x128xf32, #tpu.memory_space<vmem>>
    %dma_wait3A_184 = tpu.memref_squeeze %dma_wait3A_183 : memref<1x128x128xf32, #tpu.memory_space<vmem>> -> memref<128x128xf32, #tpu.memory_space<vmem>>
    %dma_wait3A_185 = arith.constant 0 : i32
    %dma_wait3A_186 = tpu.memref_slice %arg5[%dma_wait3A_179, %dma_wait3A_185] : memref<8x128xi32, #tpu.memory_space<vmem>> -> memref<1x128xi32, #tpu.memory_space<vmem>>
    %dma_wait3A_187 = tpu.memref_squeeze %dma_wait3A_186 : memref<1x128xi32, #tpu.memory_space<vmem>> -> memref<128xi32, #tpu.memory_space<vmem>>
    %dma_wait3A_188 = arith.constant 0 : i32
    %dma_wait3A_189 = arith.constant 0 : i32
    %dma_wait3A_190 = tpu.memref_slice %arg2[%dma_wait3A_188, %dma_wait3A_189] : memref<3200x128xf32, #tpu.memory_space<hbm>> -> memref<3200x128xf32, #tpu.memory_space<hbm>>
    tpu.wait_indirect_dma semaphore(%arg7 : memref<!tpu.dma_semaphore, #tpu.memory_space<semaphore_mem>>) src(%dma_wait3A_190 : memref<3200x128xf32, #tpu.memory_space<hbm>>) dst(%dma_wait3A_184 : memref<128x128xf32, #tpu.memory_space<vmem>>)
    "tpu.region"() ({
      %run_scoped3A = tpu.sem_alloc : memref<!tpu.dma_semaphore, #tpu.memory_space<semaphore_mem>>
      %dma_start3A_191 = arith.constant 4 : i32
      %dma_start3A_192 = arith.constant 0 : i32
      %dma_start3A_193 = arith.constant 0 : i32
      %dma_start3A_194 = tpu.memref_slice %arg4[%add3A, %dma_start3A_191, %dma_start3A_192, %dma_start3A_193] : memref<32x8x128x128xf32, #tpu.memory_space<hbm>> -> memref<1x4x128x128xf32, #tpu.memory_space<hbm>>
      %dma_start3A_195 = tpu.memref_squeeze %dma_start3A_194 : memref<1x4x128x128xf32, #tpu.memory_space<hbm>> -> memref<4x128x128xf32, #tpu.memory_space<hbm>>
      %dma_start3A_196 = arith.constant 4 : i32
      %dma_start3A_197 = arith.constant 0 : i32
      %dma_start3A_198 = arith.constant 0 : i32
      %dma_start3A_199 = tpu.memref_slice %arg4[%add3A, %dma_start3A_196, %dma_start3A_197, %dma_start3A_198] : memref<32x8x128x128xf32, #tpu.memory_space<hbm>> -> memref<1x4x128x128xf32, #tpu.memory_space<hbm>>
      %dma_start3A_200 = tpu.memref_squeeze %dma_start3A_199 : memref<1x4x128x128xf32, #tpu.memory_space<hbm>> -> memref<4x128x128xf32, #tpu.memory_space<hbm>>
      tpu.enqueue_dma source(%arg6 : memref<4x128x128xf32, #tpu.memory_space<vmem>>) target(%dma_start3A_200 : memref<4x128x128xf32, #tpu.memory_space<hbm>>) target_semaphore(%run_scoped3A : memref<!tpu.dma_semaphore, #tpu.memory_space<semaphore_mem>>)
      %dma_wait3A_201 = arith.constant 4 : i32
      %dma_wait3A_202 = arith.constant 0 : i32
      %dma_wait3A_203 = arith.constant 0 : i32
      %dma_wait3A_204 = tpu.memref_slice %arg4[%add3A, %dma_wait3A_201, %dma_wait3A_202, %dma_wait3A_203] : memref<32x8x128x128xf32, #tpu.memory_space<hbm>> -> memref<1x4x128x128xf32, #tpu.memory_space<hbm>>
      %dma_wait3A_205 = tpu.memref_squeeze %dma_wait3A_204 : memref<1x4x128x128xf32, #tpu.memory_space<hbm>> -> memref<4x128x128xf32, #tpu.memory_space<hbm>>
      %dma_wait3A_206 = arith.constant 4 : i32
      %dma_wait3A_207 = arith.constant 0 : i32
      %dma_wait3A_208 = arith.constant 0 : i32
      %dma_wait3A_209 = tpu.memref_slice %arg4[%add3A, %dma_wait3A_206, %dma_wait3A_207, %dma_wait3A_208] : memref<32x8x128x128xf32, #tpu.memory_space<hbm>> -> memref<1x4x128x128xf32, #tpu.memory_space<hbm>>
      %dma_wait3A_210 = tpu.memref_squeeze %dma_wait3A_209 : memref<1x4x128x128xf32, #tpu.memory_space<hbm>> -> memref<4x128x128xf32, #tpu.memory_space<hbm>>
      tpu.wait_dma2 semaphore(%run_scoped3A : memref<!tpu.dma_semaphore, #tpu.memory_space<semaphore_mem>>) src(%arg6 : memref<4x128x128xf32, #tpu.memory_space<vmem>>) dst(%dma_wait3A_210 : memref<4x128x128xf32, #tpu.memory_space<hbm>>)
      tpu.yield
    }) : () -> ()
    return
  }
}

module attributes {stable_mosaic.version = 14 : i64} {
  func.func @_group_body(%arg0: i32, %arg1: memref<256x3xf32, #tpu.memory_space<vmem>>, %arg2: memref<256x3xf32, #tpu.memory_space<vmem>>, %arg3: memref<3x51200xf32, #tpu.memory_space<vmem>>, %arg4: memref<1x51200xf32, #tpu.memory_space<vmem>>, %arg5: memref<256x16xi32, #tpu.memory_space<vmem>>, %arg6: memref<256x3200xf32, #tpu.memory_space<vmem>>) attributes {dimension_semantics = [#tpu.dimension_semantics<arbitrary>], iteration_bounds = array<i64: 8>, scalar_prefetch = 0 : i64, scratch_operands = 1 : i64, tpu.core_type = #tpu.core_type<tc>, window_params = [{transform_indices = @transform_0, window_bounds = array<i64: 256, 3>}, {transform_indices = @transform_1, window_bounds = array<i64: 256, 3>}, {pipeline_mode = #tpu.pipeline_mode<synchronous>, transform_indices = @transform_2, window_bounds = array<i64: 3, 51200>}, {pipeline_mode = #tpu.pipeline_mode<synchronous>, transform_indices = @transform_3, window_bounds = array<i64: 1, 51200>}, {transform_indices = @transform_4, window_bounds = array<i64: 256, 16>}]} {
    %get3A = arith.constant 0 : index
    %get3A_0 = arith.constant 0 : index
    %get3A_1 = vector.load %arg1[%get3A, %get3A_0] : memref<256x3xf32, #tpu.memory_space<vmem>>, vector<256x1xf32>
    %get3A_2 = arith.constant 0 : index
    %get3A_3 = arith.constant 1 : index
    %get3A_4 = vector.load %arg1[%get3A_2, %get3A_3] : memref<256x3xf32, #tpu.memory_space<vmem>>, vector<256x1xf32>
    %get3A_5 = arith.constant 0 : index
    %get3A_6 = arith.constant 2 : index
    %get3A_7 = vector.load %arg1[%get3A_5, %get3A_6] : memref<256x3xf32, #tpu.memory_space<vmem>>, vector<256x1xf32>
    %get3A_8 = arith.constant 0 : index
    %get3A_9 = arith.constant 0 : index
    %get3A_10 = vector.load %arg2[%get3A_8, %get3A_9] : memref<256x3xf32, #tpu.memory_space<vmem>>, vector<256x1xf32>
    %get3A_11 = arith.constant 0 : index
    %get3A_12 = arith.constant 1 : index
    %get3A_13 = vector.load %arg2[%get3A_11, %get3A_12] : memref<256x3xf32, #tpu.memory_space<vmem>>, vector<256x1xf32>
    %get3A_14 = arith.constant 0 : index
    %get3A_15 = arith.constant 2 : index
    %get3A_16 = vector.load %arg2[%get3A_14, %get3A_15] : memref<256x3xf32, #tpu.memory_space<vmem>>, vector<256x1xf32>
    %mul3A = arith.mulf %get3A_10, %get3A_10 : vector<256x1xf32>
    %mul3A_17 = arith.mulf %get3A_13, %get3A_13 : vector<256x1xf32>
    %add3A = arith.addf %mul3A, %mul3A_17 : vector<256x1xf32>
    %mul3A_18 = arith.mulf %get3A_16, %get3A_16 : vector<256x1xf32>
    %add3A_19 = arith.addf %add3A, %mul3A_18 : vector<256x1xf32>
    %add3A_20 = arith.constant 9.99999996E-13 : f32
    %add3A_21 = vector.broadcast %add3A_20 : f32 to vector<256x1xf32>
    %add3A_22 = arith.addf %add3A_19, %add3A_21 : vector<256x1xf32>
    %sqrt3A = math.sqrt %add3A_22 : vector<256x1xf32>
    %div3A = arith.constant 1.000000e+00 : f32
    %div3A_23 = vector.broadcast %div3A : f32 to vector<256x1xf32>
    %div3A_24 = arith.divf %div3A_23, %sqrt3A : vector<256x1xf32>
    %mul3A_25 = arith.mulf %get3A_10, %div3A_24 : vector<256x1xf32>
    %mul3A_26 = arith.mulf %get3A_13, %div3A_24 : vector<256x1xf32>
    %mul3A_27 = arith.mulf %get3A_16, %div3A_24 : vector<256x1xf32>
    %mul3A_28 = arith.mulf %get3A_1, %mul3A_25 : vector<256x1xf32>
    %mul3A_29 = arith.mulf %get3A_4, %mul3A_26 : vector<256x1xf32>
    %add3A_30 = arith.addf %mul3A_28, %mul3A_29 : vector<256x1xf32>
    %mul3A_31 = arith.mulf %get3A_7, %mul3A_27 : vector<256x1xf32>
    %add3A_32 = arith.addf %add3A_30, %mul3A_31 : vector<256x1xf32>
    %mul3A_33 = arith.constant 2.000000e+00 : f32
    %mul3A_34 = vector.broadcast %mul3A_33 : f32 to vector<256x1xf32>
    %mul3A_35 = arith.mulf %mul3A_34, %add3A_32 : vector<256x1xf32>
    %mul3A_36 = arith.mulf %get3A_1, %get3A_1 : vector<256x1xf32>
    %mul3A_37 = arith.mulf %get3A_4, %get3A_4 : vector<256x1xf32>
    %add3A_38 = arith.addf %mul3A_36, %mul3A_37 : vector<256x1xf32>
    %mul3A_39 = arith.mulf %get3A_7, %get3A_7 : vector<256x1xf32>
    %add3A_40 = arith.addf %add3A_38, %mul3A_39 : vector<256x1xf32>
    %mul3A_41 = arith.constant 2.500000e-01 : f32
    %mul3A_42 = vector.broadcast %mul3A_41 : f32 to vector<256x1xf32>
    %mul3A_43 = arith.mulf %mul3A_42, %mul3A_35 : vector<256x1xf32>
    %mul3A_44 = arith.mulf %mul3A_43, %mul3A_35 : vector<256x1xf32>
    %sub3A = arith.subf %add3A_40, %mul3A_44 : vector<256x1xf32>
    %mul3A_45 = arith.constant -2.000000e+00 : f32
    %mul3A_46 = vector.broadcast %mul3A_45 : f32 to vector<256x1xf32>
    %mul3A_47 = arith.mulf %mul3A_46, %get3A_1 : vector<256x1xf32>
    %mul3A_48 = arith.constant -2.000000e+00 : f32
    %mul3A_49 = vector.broadcast %mul3A_48 : f32 to vector<256x1xf32>
    %mul3A_50 = arith.mulf %mul3A_49, %get3A_4 : vector<256x1xf32>
    %mul3A_51 = arith.constant -2.000000e+00 : f32
    %mul3A_52 = vector.broadcast %mul3A_51 : f32 to vector<256x1xf32>
    %mul3A_53 = arith.mulf %mul3A_52, %get3A_7 : vector<256x1xf32>
    %scan3A = arith.constant 0 : i32
    %scan3A_54 = arith.constant 25 : i32
    %scan3A_55 = arith.addi %scan3A, %scan3A_54 : i32
    %scan3A_56 = arith.constant 1 : i32
    scf.for %scan3A_354 = %scan3A to %scan3A_55 step %scan3A_56  : i32 {
      %mul3A_355 = arith.constant 2048 : i32
      %mul3A_356 = arith.muli %scan3A_354, %mul3A_355 : i32
      %get3A_357 = arith.constant 0 : index
      %get3A_358 = arith.index_cast %mul3A_356 : i32 to index
      %get3A_359 = vector.load %arg3[%get3A_357, %get3A_358] : memref<3x51200xf32, #tpu.memory_space<vmem>>, vector<1x2048xf32>
      %mul3A_360 = arith.constant 2048 : i32
      %mul3A_361 = arith.muli %scan3A_354, %mul3A_360 : i32
      %get3A_362 = arith.constant 1 : index
      %get3A_363 = arith.index_cast %mul3A_361 : i32 to index
      %get3A_364 = vector.load %arg3[%get3A_362, %get3A_363] : memref<3x51200xf32, #tpu.memory_space<vmem>>, vector<1x2048xf32>
      %mul3A_365 = arith.constant 2048 : i32
      %mul3A_366 = arith.muli %scan3A_354, %mul3A_365 : i32
      %get3A_367 = arith.constant 2 : index
      %get3A_368 = arith.index_cast %mul3A_366 : i32 to index
      %get3A_369 = vector.load %arg3[%get3A_367, %get3A_368] : memref<3x51200xf32, #tpu.memory_space<vmem>>, vector<1x2048xf32>
      %mul3A_370 = arith.constant 2048 : i32
      %mul3A_371 = arith.muli %scan3A_354, %mul3A_370 : i32
      %get3A_372 = arith.constant 0 : index
      %get3A_373 = arith.index_cast %mul3A_371 : i32 to index
      %get3A_374 = vector.load %arg4[%get3A_372, %get3A_373] : memref<1x51200xf32, #tpu.memory_space<vmem>>, vector<1x2048xf32>
      %mul3A_375 = vector.broadcast %get3A_359 : vector<1x2048xf32> to vector<256x2048xf32>
      %mul3A_376 = vector.broadcast %mul3A_47 : vector<256x1xf32> to vector<256x2048xf32>
      %mul3A_377 = arith.mulf %mul3A_375, %mul3A_376 : vector<256x2048xf32>
      %add3A_378 = vector.broadcast %get3A_374 : vector<1x2048xf32> to vector<256x2048xf32>
      %add3A_379 = arith.addf %add3A_378, %mul3A_377 : vector<256x2048xf32>
      %mul3A_380 = vector.broadcast %get3A_364 : vector<1x2048xf32> to vector<256x2048xf32>
      %mul3A_381 = vector.broadcast %mul3A_50 : vector<256x1xf32> to vector<256x2048xf32>
      %mul3A_382 = arith.mulf %mul3A_380, %mul3A_381 : vector<256x2048xf32>
      %add3A_383 = arith.addf %add3A_379, %mul3A_382 : vector<256x2048xf32>
      %mul3A_384 = vector.broadcast %get3A_369 : vector<1x2048xf32> to vector<256x2048xf32>
      %mul3A_385 = vector.broadcast %mul3A_53 : vector<256x1xf32> to vector<256x2048xf32>
      %mul3A_386 = arith.mulf %mul3A_384, %mul3A_385 : vector<256x2048xf32>
      %add3A_387 = arith.addf %add3A_383, %mul3A_386 : vector<256x2048xf32>
      %mul3A_388 = vector.broadcast %get3A_359 : vector<1x2048xf32> to vector<256x2048xf32>
      %mul3A_389 = vector.broadcast %mul3A_25 : vector<256x1xf32> to vector<256x2048xf32>
      %mul3A_390 = arith.mulf %mul3A_388, %mul3A_389 : vector<256x2048xf32>
      %mul3A_391 = vector.broadcast %get3A_364 : vector<1x2048xf32> to vector<256x2048xf32>
      %mul3A_392 = vector.broadcast %mul3A_26 : vector<256x1xf32> to vector<256x2048xf32>
      %mul3A_393 = arith.mulf %mul3A_391, %mul3A_392 : vector<256x2048xf32>
      %add3A_394 = arith.addf %mul3A_390, %mul3A_393 : vector<256x2048xf32>
      %mul3A_395 = vector.broadcast %get3A_369 : vector<1x2048xf32> to vector<256x2048xf32>
      %mul3A_396 = vector.broadcast %mul3A_27 : vector<256x1xf32> to vector<256x2048xf32>
      %mul3A_397 = arith.mulf %mul3A_395, %mul3A_396 : vector<256x2048xf32>
      %add3A_398 = arith.addf %add3A_394, %mul3A_397 : vector<256x2048xf32>
      %sub3A_399 = vector.broadcast %mul3A_35 : vector<256x1xf32> to vector<256x2048xf32>
      %sub3A_400 = arith.subf %sub3A_399, %add3A_398 : vector<256x2048xf32>
      %mul3A_401 = arith.mulf %add3A_398, %sub3A_400 : vector<256x2048xf32>
      %add3A_402 = arith.addf %add3A_387, %mul3A_401 : vector<256x2048xf32>
      %slice3A_403 = vector.extract_strided_slice %add3A_402 {offsets = [0, 0], sizes = [256, 128], strides = [1, 1]} : vector<256x2048xf32> to vector<256x128xf32>
      %slice3A_404 = vector.extract_strided_slice %add3A_402 {offsets = [0, 128], sizes = [256, 128], strides = [1, 1]} : vector<256x2048xf32> to vector<256x128xf32>
      %min3A = arith.minimumf %slice3A_403, %slice3A_404 : vector<256x128xf32>
      %slice3A_405 = vector.extract_strided_slice %add3A_402 {offsets = [0, 256], sizes = [256, 128], strides = [1, 1]} : vector<256x2048xf32> to vector<256x128xf32>
      %min3A_406 = arith.minimumf %min3A, %slice3A_405 : vector<256x128xf32>
      %slice3A_407 = vector.extract_strided_slice %add3A_402 {offsets = [0, 384], sizes = [256, 128], strides = [1, 1]} : vector<256x2048xf32> to vector<256x128xf32>
      %min3A_408 = arith.minimumf %min3A_406, %slice3A_407 : vector<256x128xf32>
      %slice3A_409 = vector.extract_strided_slice %add3A_402 {offsets = [0, 512], sizes = [256, 128], strides = [1, 1]} : vector<256x2048xf32> to vector<256x128xf32>
      %min3A_410 = arith.minimumf %min3A_408, %slice3A_409 : vector<256x128xf32>
      %slice3A_411 = vector.extract_strided_slice %add3A_402 {offsets = [0, 640], sizes = [256, 128], strides = [1, 1]} : vector<256x2048xf32> to vector<256x128xf32>
      %min3A_412 = arith.minimumf %min3A_410, %slice3A_411 : vector<256x128xf32>
      %slice3A_413 = vector.extract_strided_slice %add3A_402 {offsets = [0, 768], sizes = [256, 128], strides = [1, 1]} : vector<256x2048xf32> to vector<256x128xf32>
      %min3A_414 = arith.minimumf %min3A_412, %slice3A_413 : vector<256x128xf32>
      %slice3A_415 = vector.extract_strided_slice %add3A_402 {offsets = [0, 896], sizes = [256, 128], strides = [1, 1]} : vector<256x2048xf32> to vector<256x128xf32>
      %min3A_416 = arith.minimumf %min3A_414, %slice3A_415 : vector<256x128xf32>
      %slice3A_417 = vector.extract_strided_slice %add3A_402 {offsets = [0, 1024], sizes = [256, 128], strides = [1, 1]} : vector<256x2048xf32> to vector<256x128xf32>
      %min3A_418 = arith.minimumf %min3A_416, %slice3A_417 : vector<256x128xf32>
      %slice3A_419 = vector.extract_strided_slice %add3A_402 {offsets = [0, 1152], sizes = [256, 128], strides = [1, 1]} : vector<256x2048xf32> to vector<256x128xf32>
      %min3A_420 = arith.minimumf %min3A_418, %slice3A_419 : vector<256x128xf32>
      %slice3A_421 = vector.extract_strided_slice %add3A_402 {offsets = [0, 1280], sizes = [256, 128], strides = [1, 1]} : vector<256x2048xf32> to vector<256x128xf32>
      %min3A_422 = arith.minimumf %min3A_420, %slice3A_421 : vector<256x128xf32>
      %slice3A_423 = vector.extract_strided_slice %add3A_402 {offsets = [0, 1408], sizes = [256, 128], strides = [1, 1]} : vector<256x2048xf32> to vector<256x128xf32>
      %min3A_424 = arith.minimumf %min3A_422, %slice3A_423 : vector<256x128xf32>
      %slice3A_425 = vector.extract_strided_slice %add3A_402 {offsets = [0, 1536], sizes = [256, 128], strides = [1, 1]} : vector<256x2048xf32> to vector<256x128xf32>
      %min3A_426 = arith.minimumf %min3A_424, %slice3A_425 : vector<256x128xf32>
      %slice3A_427 = vector.extract_strided_slice %add3A_402 {offsets = [0, 1664], sizes = [256, 128], strides = [1, 1]} : vector<256x2048xf32> to vector<256x128xf32>
      %min3A_428 = arith.minimumf %min3A_426, %slice3A_427 : vector<256x128xf32>
      %slice3A_429 = vector.extract_strided_slice %add3A_402 {offsets = [0, 1792], sizes = [256, 128], strides = [1, 1]} : vector<256x2048xf32> to vector<256x128xf32>
      %min3A_430 = arith.minimumf %min3A_428, %slice3A_429 : vector<256x128xf32>
      %slice3A_431 = vector.extract_strided_slice %add3A_402 {offsets = [0, 1920], sizes = [256, 128], strides = [1, 1]} : vector<256x2048xf32> to vector<256x128xf32>
      %min3A_432 = arith.minimumf %min3A_430, %slice3A_431 : vector<256x128xf32>
      %mul3A_433 = arith.constant 128 : i32
      %mul3A_434 = arith.muli %scan3A_354, %mul3A_433 : i32
      %swap3A_435 = arith.constant 0 : index
      %swap3A_436 = arith.index_cast %mul3A_434 : i32 to index
      %swap3A_437 = vector.load %arg6[%swap3A_435, %swap3A_436] : memref<256x3200xf32, #tpu.memory_space<vmem>>, vector<256x128xf32>
      tpu.vector_store %arg6[%swap3A_435, %swap3A_436], %min3A_432 {strides = array<i32>} : memref<256x3200xf32, #tpu.memory_space<vmem>>, vector<256x128xf32>,
    }
    %scan3A_57 = arith.constant 25 : i32
    %get3A_58 = arith.constant 0 : index
    %get3A_59 = arith.constant 0 : index
    %get3A_60 = vector.load %arg6[%get3A_58, %get3A_59] : memref<256x3200xf32, #tpu.memory_space<vmem>>, vector<256x3200xf32>
    %add3A_61 = arith.constant 1.000000e+00 : f32
    %add3A_62 = vector.broadcast %add3A_61 : f32 to vector<256x1xf32>
    %add3A_63 = arith.addf %sub3A, %add3A_62 : vector<256x1xf32>
    %add3A_64 = vector.broadcast %add3A_63 : vector<256x1xf32> to vector<256x3200xf32>
    %add3A_65 = arith.addf %get3A_60, %add3A_64 : vector<256x3200xf32>
    %max3A = arith.constant 1.000000e+00 : f32
    %max3A_66 = vector.broadcast %max3A : f32 to vector<256x3200xf32>
    %max3A_67 = arith.maximumf %add3A_65, %max3A_66 : vector<256x3200xf32>
    %iota3A = tpu.iota {dimensions = array<i32: 1>} : vector<256x3200xi32>
    %bitcast_convert_type3A = tpu.bitcast %max3A_67 : vector<256x3200xf32> -> vector<256x3200xi32>
    %and3A = arith.constant -4096 : i32
    %and3A_68 = vector.broadcast %and3A : i32 to vector<256x3200xi32>
    %and3A_69 = arith.andi %bitcast_convert_type3A, %and3A_68 : vector<256x3200xi32>
    %or3A = arith.ori %and3A_69, %iota3A : vector<256x3200xi32>
    %bitcast_convert_type3A_70 = tpu.bitcast %or3A : vector<256x3200xi32> -> vector<256x3200xf32>
    %iota3A_71 = tpu.iota {dimensions = array<i32: 1>} : vector<256x128xi32>
    %broadcast_in_dim3A = arith.constant 0 : i32
    %broadcast_in_dim3A_72 = vector.broadcast %broadcast_in_dim3A : i32 to vector<256x128xi32>
    %reduce_min3A = arith.constant dense<0x7F800000> : vector<256xf32>
    %reduce_min3A_73 = vector.multi_reduction <minimumf>, %bitcast_convert_type3A_70, %reduce_min3A [1] : vector<256x3200xf32> to vector<256xf32>
    %broadcast_in_dim3A_74 = vector.shape_cast %reduce_min3A_73 : vector<256xf32> to vector<256x1xf32>
    %eq3A = vector.broadcast %broadcast_in_dim3A_74 : vector<256x1xf32> to vector<256x3200xf32>
    %eq3A_75 = arith.cmpf oeq, %bitcast_convert_type3A_70, %eq3A : vector<256x3200xf32>
    %jit3A = arith.constant 2.000000e+30 : f32
    %broadcast_in_dim3A_76 = vector.broadcast %jit3A : f32 to vector<256x3200xf32>
    %select_n3A = arith.select %eq3A_75, %broadcast_in_dim3A_76, %bitcast_convert_type3A_70 : vector<256x3200xi1>, vector<256x3200xf32>
    %bitcast_convert_type3A_77 = tpu.bitcast %broadcast_in_dim3A_74 : vector<256x1xf32> -> vector<256x1xi32>
    %and3A_78 = arith.constant 4095 : i32
    %and3A_79 = vector.broadcast %and3A_78 : i32 to vector<256x1xi32>
    %and3A_80 = arith.andi %bitcast_convert_type3A_77, %and3A_79 : vector<256x1xi32>
    %eq3A_81 = arith.constant 0 : i32
    %eq3A_82 = vector.broadcast %eq3A_81 : i32 to vector<256x128xi32>
    %eq3A_83 = arith.cmpi eq, %iota3A_71, %eq3A_82 : vector<256x128xi32>
    %broadcast_in_dim3A_84 = vector.shape_cast %and3A_80 : vector<256x1xi32> to vector<256x1xi32>
    %broadcast_in_dim3A_85 = vector.broadcast %broadcast_in_dim3A_84 : vector<256x1xi32> to vector<256x128xi32>
    %select_n3A_86 = arith.select %eq3A_83, %broadcast_in_dim3A_85, %broadcast_in_dim3A_72 : vector<256x128xi1>, vector<256x128xi32>
    %reduce_min3A_87 = arith.constant dense<0x7F800000> : vector<256xf32>
    %reduce_min3A_88 = vector.multi_reduction <minimumf>, %select_n3A, %reduce_min3A_87 [1] : vector<256x3200xf32> to vector<256xf32>
    %broadcast_in_dim3A_89 = vector.shape_cast %reduce_min3A_88 : vector<256xf32> to vector<256x1xf32>
    %eq3A_90 = vector.broadcast %broadcast_in_dim3A_89 : vector<256x1xf32> to vector<256x3200xf32>
    %eq3A_91 = arith.cmpf oeq, %select_n3A, %eq3A_90 : vector<256x3200xf32>
    %jit3A_92 = arith.constant 2.000000e+30 : f32
    %broadcast_in_dim3A_93 = vector.broadcast %jit3A_92 : f32 to vector<256x3200xf32>
    %select_n3A_94 = arith.select %eq3A_91, %broadcast_in_dim3A_93, %select_n3A : vector<256x3200xi1>, vector<256x3200xf32>
    %bitcast_convert_type3A_95 = tpu.bitcast %broadcast_in_dim3A_89 : vector<256x1xf32> -> vector<256x1xi32>
    %and3A_96 = arith.constant 4095 : i32
    %and3A_97 = vector.broadcast %and3A_96 : i32 to vector<256x1xi32>
    %and3A_98 = arith.andi %bitcast_convert_type3A_95, %and3A_97 : vector<256x1xi32>
    %eq3A_99 = arith.constant 1 : i32
    %eq3A_100 = vector.broadcast %eq3A_99 : i32 to vector<256x128xi32>
    %eq3A_101 = arith.cmpi eq, %iota3A_71, %eq3A_100 : vector<256x128xi32>
    %broadcast_in_dim3A_102 = vector.shape_cast %and3A_98 : vector<256x1xi32> to vector<256x1xi32>
    %broadcast_in_dim3A_103 = vector.broadcast %broadcast_in_dim3A_102 : vector<256x1xi32> to vector<256x128xi32>
    %select_n3A_104 = arith.select %eq3A_101, %broadcast_in_dim3A_103, %select_n3A_86 : vector<256x128xi1>, vector<256x128xi32>
    %reduce_min3A_105 = arith.constant dense<0x7F800000> : vector<256xf32>
    %reduce_min3A_106 = vector.multi_reduction <minimumf>, %select_n3A_94, %reduce_min3A_105 [1] : vector<256x3200xf32> to vector<256xf32>
    %broadcast_in_dim3A_107 = vector.shape_cast %reduce_min3A_106 : vector<256xf32> to vector<256x1xf32>
    %eq3A_108 = vector.broadcast %broadcast_in_dim3A_107 : vector<256x1xf32> to vector<256x3200xf32>
    %eq3A_109 = arith.cmpf oeq, %select_n3A_94, %eq3A_108 : vector<256x3200xf32>
    %jit3A_110 = arith.constant 2.000000e+30 : f32
    %broadcast_in_dim3A_111 = vector.broadcast %jit3A_110 : f32 to vector<256x3200xf32>
    %select_n3A_112 = arith.select %eq3A_109, %broadcast_in_dim3A_111, %select_n3A_94 : vector<256x3200xi1>, vector<256x3200xf32>
    %bitcast_convert_type3A_113 = tpu.bitcast %broadcast_in_dim3A_107 : vector<256x1xf32> -> vector<256x1xi32>
    %and3A_114 = arith.constant 4095 : i32
    %and3A_115 = vector.broadcast %and3A_114 : i32 to vector<256x1xi32>
    %and3A_116 = arith.andi %bitcast_convert_type3A_113, %and3A_115 : vector<256x1xi32>
    %eq3A_117 = arith.constant 2 : i32
    %eq3A_118 = vector.broadcast %eq3A_117 : i32 to vector<256x128xi32>
    %eq3A_119 = arith.cmpi eq, %iota3A_71, %eq3A_118 : vector<256x128xi32>
    %broadcast_in_dim3A_120 = vector.shape_cast %and3A_116 : vector<256x1xi32> to vector<256x1xi32>
    %broadcast_in_dim3A_121 = vector.broadcast %broadcast_in_dim3A_120 : vector<256x1xi32> to vector<256x128xi32>
    %select_n3A_122 = arith.select %eq3A_119, %broadcast_in_dim3A_121, %select_n3A_104 : vector<256x128xi1>, vector<256x128xi32>
    %reduce_min3A_123 = arith.constant dense<0x7F800000> : vector<256xf32>
    %reduce_min3A_124 = vector.multi_reduction <minimumf>, %select_n3A_112, %reduce_min3A_123 [1] : vector<256x3200xf32> to vector<256xf32>
    %broadcast_in_dim3A_125 = vector.shape_cast %reduce_min3A_124 : vector<256xf32> to vector<256x1xf32>
    %eq3A_126 = vector.broadcast %broadcast_in_dim3A_125 : vector<256x1xf32> to vector<256x3200xf32>
    %eq3A_127 = arith.cmpf oeq, %select_n3A_112, %eq3A_126 : vector<256x3200xf32>
    %jit3A_128 = arith.constant 2.000000e+30 : f32
    %broadcast_in_dim3A_129 = vector.broadcast %jit3A_128 : f32 to vector<256x3200xf32>
    %select_n3A_130 = arith.select %eq3A_127, %broadcast_in_dim3A_129, %select_n3A_112 : vector<256x3200xi1>, vector<256x3200xf32>
    %bitcast_convert_type3A_131 = tpu.bitcast %broadcast_in_dim3A_125 : vector<256x1xf32> -> vector<256x1xi32>
    %and3A_132 = arith.constant 4095 : i32
    %and3A_133 = vector.broadcast %and3A_132 : i32 to vector<256x1xi32>
    %and3A_134 = arith.andi %bitcast_convert_type3A_131, %and3A_133 : vector<256x1xi32>
    %eq3A_135 = arith.constant 3 : i32
    %eq3A_136 = vector.broadcast %eq3A_135 : i32 to vector<256x128xi32>
    %eq3A_137 = arith.cmpi eq, %iota3A_71, %eq3A_136 : vector<256x128xi32>
    %broadcast_in_dim3A_138 = vector.shape_cast %and3A_134 : vector<256x1xi32> to vector<256x1xi32>
    %broadcast_in_dim3A_139 = vector.broadcast %broadcast_in_dim3A_138 : vector<256x1xi32> to vector<256x128xi32>
    %select_n3A_140 = arith.select %eq3A_137, %broadcast_in_dim3A_139, %select_n3A_122 : vector<256x128xi1>, vector<256x128xi32>
    %reduce_min3A_141 = arith.constant dense<0x7F800000> : vector<256xf32>
    %reduce_min3A_142 = vector.multi_reduction <minimumf>, %select_n3A_130, %reduce_min3A_141 [1] : vector<256x3200xf32> to vector<256xf32>
    %broadcast_in_dim3A_143 = vector.shape_cast %reduce_min3A_142 : vector<256xf32> to vector<256x1xf32>
    %eq3A_144 = vector.broadcast %broadcast_in_dim3A_143 : vector<256x1xf32> to vector<256x3200xf32>
    %eq3A_145 = arith.cmpf oeq, %select_n3A_130, %eq3A_144 : vector<256x3200xf32>
    %jit3A_146 = arith.constant 2.000000e+30 : f32
    %broadcast_in_dim3A_147 = vector.broadcast %jit3A_146 : f32 to vector<256x3200xf32>
    %select_n3A_148 = arith.select %eq3A_145, %broadcast_in_dim3A_147, %select_n3A_130 : vector<256x3200xi1>, vector<256x3200xf32>
    %bitcast_convert_type3A_149 = tpu.bitcast %broadcast_in_dim3A_143 : vector<256x1xf32> -> vector<256x1xi32>
    %and3A_150 = arith.constant 4095 : i32
    %and3A_151 = vector.broadcast %and3A_150 : i32 to vector<256x1xi32>
    %and3A_152 = arith.andi %bitcast_convert_type3A_149, %and3A_151 : vector<256x1xi32>
    %eq3A_153 = arith.constant 4 : i32
    %eq3A_154 = vector.broadcast %eq3A_153 : i32 to vector<256x128xi32>
    %eq3A_155 = arith.cmpi eq, %iota3A_71, %eq3A_154 : vector<256x128xi32>
    %broadcast_in_dim3A_156 = vector.shape_cast %and3A_152 : vector<256x1xi32> to vector<256x1xi32>
    %broadcast_in_dim3A_157 = vector.broadcast %broadcast_in_dim3A_156 : vector<256x1xi32> to vector<256x128xi32>
    %select_n3A_158 = arith.select %eq3A_155, %broadcast_in_dim3A_157, %select_n3A_140 : vector<256x128xi1>, vector<256x128xi32>
    %reduce_min3A_159 = arith.constant dense<0x7F800000> : vector<256xf32>
    %reduce_min3A_160 = vector.multi_reduction <minimumf>, %select_n3A_148, %reduce_min3A_159 [1] : vector<256x3200xf32> to vector<256xf32>
    %broadcast_in_dim3A_161 = vector.shape_cast %reduce_min3A_160 : vector<256xf32> to vector<256x1xf32>
    %eq3A_162 = vector.broadcast %broadcast_in_dim3A_161 : vector<256x1xf32> to vector<256x3200xf32>
    %eq3A_163 = arith.cmpf oeq, %select_n3A_148, %eq3A_162 : vector<256x3200xf32>
    %jit3A_164 = arith.constant 2.000000e+30 : f32
    %broadcast_in_dim3A_165 = vector.broadcast %jit3A_164 : f32 to vector<256x3200xf32>
    %select_n3A_166 = arith.select %eq3A_163, %broadcast_in_dim3A_165, %select_n3A_148 : vector<256x3200xi1>, vector<256x3200xf32>
    %bitcast_convert_type3A_167 = tpu.bitcast %broadcast_in_dim3A_161 : vector<256x1xf32> -> vector<256x1xi32>
    %and3A_168 = arith.constant 4095 : i32
    %and3A_169 = vector.broadcast %and3A_168 : i32 to vector<256x1xi32>
    %and3A_170 = arith.andi %bitcast_convert_type3A_167, %and3A_169 : vector<256x1xi32>
    %eq3A_171 = arith.constant 5 : i32
    %eq3A_172 = vector.broadcast %eq3A_171 : i32 to vector<256x128xi32>
    %eq3A_173 = arith.cmpi eq, %iota3A_71, %eq3A_172 : vector<256x128xi32>
    %broadcast_in_dim3A_174 = vector.shape_cast %and3A_170 : vector<256x1xi32> to vector<256x1xi32>
    %broadcast_in_dim3A_175 = vector.broadcast %broadcast_in_dim3A_174 : vector<256x1xi32> to vector<256x128xi32>
    %select_n3A_176 = arith.select %eq3A_173, %broadcast_in_dim3A_175, %select_n3A_158 : vector<256x128xi1>, vector<256x128xi32>
    %reduce_min3A_177 = arith.constant dense<0x7F800000> : vector<256xf32>
    %reduce_min3A_178 = vector.multi_reduction <minimumf>, %select_n3A_166, %reduce_min3A_177 [1] : vector<256x3200xf32> to vector<256xf32>
    %broadcast_in_dim3A_179 = vector.shape_cast %reduce_min3A_178 : vector<256xf32> to vector<256x1xf32>
    %eq3A_180 = vector.broadcast %broadcast_in_dim3A_179 : vector<256x1xf32> to vector<256x3200xf32>
    %eq3A_181 = arith.cmpf oeq, %select_n3A_166, %eq3A_180 : vector<256x3200xf32>
    %jit3A_182 = arith.constant 2.000000e+30 : f32
    %broadcast_in_dim3A_183 = vector.broadcast %jit3A_182 : f32 to vector<256x3200xf32>
    %select_n3A_184 = arith.select %eq3A_181, %broadcast_in_dim3A_183, %select_n3A_166 : vector<256x3200xi1>, vector<256x3200xf32>
    %bitcast_convert_type3A_185 = tpu.bitcast %broadcast_in_dim3A_179 : vector<256x1xf32> -> vector<256x1xi32>
    %and3A_186 = arith.constant 4095 : i32
    %and3A_187 = vector.broadcast %and3A_186 : i32 to vector<256x1xi32>
    %and3A_188 = arith.andi %bitcast_convert_type3A_185, %and3A_187 : vector<256x1xi32>
    %eq3A_189 = arith.constant 6 : i32
    %eq3A_190 = vector.broadcast %eq3A_189 : i32 to vector<256x128xi32>
    %eq3A_191 = arith.cmpi eq, %iota3A_71, %eq3A_190 : vector<256x128xi32>
    %broadcast_in_dim3A_192 = vector.shape_cast %and3A_188 : vector<256x1xi32> to vector<256x1xi32>
    %broadcast_in_dim3A_193 = vector.broadcast %broadcast_in_dim3A_192 : vector<256x1xi32> to vector<256x128xi32>
    %select_n3A_194 = arith.select %eq3A_191, %broadcast_in_dim3A_193, %select_n3A_176 : vector<256x128xi1>, vector<256x128xi32>
    %reduce_min3A_195 = arith.constant dense<0x7F800000> : vector<256xf32>
    %reduce_min3A_196 = vector.multi_reduction <minimumf>, %select_n3A_184, %reduce_min3A_195 [1] : vector<256x3200xf32> to vector<256xf32>
    %broadcast_in_dim3A_197 = vector.shape_cast %reduce_min3A_196 : vector<256xf32> to vector<256x1xf32>
    %eq3A_198 = vector.broadcast %broadcast_in_dim3A_197 : vector<256x1xf32> to vector<256x3200xf32>
    %eq3A_199 = arith.cmpf oeq, %select_n3A_184, %eq3A_198 : vector<256x3200xf32>
    %jit3A_200 = arith.constant 2.000000e+30 : f32
    %broadcast_in_dim3A_201 = vector.broadcast %jit3A_200 : f32 to vector<256x3200xf32>
    %select_n3A_202 = arith.select %eq3A_199, %broadcast_in_dim3A_201, %select_n3A_184 : vector<256x3200xi1>, vector<256x3200xf32>
    %bitcast_convert_type3A_203 = tpu.bitcast %broadcast_in_dim3A_197 : vector<256x1xf32> -> vector<256x1xi32>
    %and3A_204 = arith.constant 4095 : i32
    %and3A_205 = vector.broadcast %and3A_204 : i32 to vector<256x1xi32>
    %and3A_206 = arith.andi %bitcast_convert_type3A_203, %and3A_205 : vector<256x1xi32>
    %eq3A_207 = arith.constant 7 : i32
    %eq3A_208 = vector.broadcast %eq3A_207 : i32 to vector<256x128xi32>
    %eq3A_209 = arith.cmpi eq, %iota3A_71, %eq3A_208 : vector<256x128xi32>
    %broadcast_in_dim3A_210 = vector.shape_cast %and3A_206 : vector<256x1xi32> to vector<256x1xi32>
    %broadcast_in_dim3A_211 = vector.broadcast %broadcast_in_dim3A_210 : vector<256x1xi32> to vector<256x128xi32>
    %select_n3A_212 = arith.select %eq3A_209, %broadcast_in_dim3A_211, %select_n3A_194 : vector<256x128xi1>, vector<256x128xi32>
    %reduce_min3A_213 = arith.constant dense<0x7F800000> : vector<256xf32>
    %reduce_min3A_214 = vector.multi_reduction <minimumf>, %select_n3A_202, %reduce_min3A_213 [1] : vector<256x3200xf32> to vector<256xf32>
    %broadcast_in_dim3A_215 = vector.shape_cast %reduce_min3A_214 : vector<256xf32> to vector<256x1xf32>
    %eq3A_216 = vector.broadcast %broadcast_in_dim3A_215 : vector<256x1xf32> to vector<256x3200xf32>
    %eq3A_217 = arith.cmpf oeq, %select_n3A_202, %eq3A_216 : vector<256x3200xf32>
    %jit3A_218 = arith.constant 2.000000e+30 : f32
    %broadcast_in_dim3A_219 = vector.broadcast %jit3A_218 : f32 to vector<256x3200xf32>
    %select_n3A_220 = arith.select %eq3A_217, %broadcast_in_dim3A_219, %select_n3A_202 : vector<256x3200xi1>, vector<256x3200xf32>
    %bitcast_convert_type3A_221 = tpu.bitcast %broadcast_in_dim3A_215 : vector<256x1xf32> -> vector<256x1xi32>
    %and3A_222 = arith.constant 4095 : i32
    %and3A_223 = vector.broadcast %and3A_222 : i32 to vector<256x1xi32>
    %and3A_224 = arith.andi %bitcast_convert_type3A_221, %and3A_223 : vector<256x1xi32>
    %eq3A_225 = arith.constant 8 : i32
    %eq3A_226 = vector.broadcast %eq3A_225 : i32 to vector<256x128xi32>
    %eq3A_227 = arith.cmpi eq, %iota3A_71, %eq3A_226 : vector<256x128xi32>
    %broadcast_in_dim3A_228 = vector.shape_cast %and3A_224 : vector<256x1xi32> to vector<256x1xi32>
    %broadcast_in_dim3A_229 = vector.broadcast %broadcast_in_dim3A_228 : vector<256x1xi32> to vector<256x128xi32>
    %select_n3A_230 = arith.select %eq3A_227, %broadcast_in_dim3A_229, %select_n3A_212 : vector<256x128xi1>, vector<256x128xi32>
    %reduce_min3A_231 = arith.constant dense<0x7F800000> : vector<256xf32>
    %reduce_min3A_232 = vector.multi_reduction <minimumf>, %select_n3A_220, %reduce_min3A_231 [1] : vector<256x3200xf32> to vector<256xf32>
    %broadcast_in_dim3A_233 = vector.shape_cast %reduce_min3A_232 : vector<256xf32> to vector<256x1xf32>
    %eq3A_234 = vector.broadcast %broadcast_in_dim3A_233 : vector<256x1xf32> to vector<256x3200xf32>
    %eq3A_235 = arith.cmpf oeq, %select_n3A_220, %eq3A_234 : vector<256x3200xf32>
    %jit3A_236 = arith.constant 2.000000e+30 : f32
    %broadcast_in_dim3A_237 = vector.broadcast %jit3A_236 : f32 to vector<256x3200xf32>
    %select_n3A_238 = arith.select %eq3A_235, %broadcast_in_dim3A_237, %select_n3A_220 : vector<256x3200xi1>, vector<256x3200xf32>
    %bitcast_convert_type3A_239 = tpu.bitcast %broadcast_in_dim3A_233 : vector<256x1xf32> -> vector<256x1xi32>
    %and3A_240 = arith.constant 4095 : i32
    %and3A_241 = vector.broadcast %and3A_240 : i32 to vector<256x1xi32>
    %and3A_242 = arith.andi %bitcast_convert_type3A_239, %and3A_241 : vector<256x1xi32>
    %eq3A_243 = arith.constant 9 : i32
    %eq3A_244 = vector.broadcast %eq3A_243 : i32 to vector<256x128xi32>
    %eq3A_245 = arith.cmpi eq, %iota3A_71, %eq3A_244 : vector<256x128xi32>
    %broadcast_in_dim3A_246 = vector.shape_cast %and3A_242 : vector<256x1xi32> to vector<256x1xi32>
    %broadcast_in_dim3A_247 = vector.broadcast %broadcast_in_dim3A_246 : vector<256x1xi32> to vector<256x128xi32>
    %select_n3A_248 = arith.select %eq3A_245, %broadcast_in_dim3A_247, %select_n3A_230 : vector<256x128xi1>, vector<256x128xi32>
    %reduce_min3A_249 = arith.constant dense<0x7F800000> : vector<256xf32>
    %reduce_min3A_250 = vector.multi_reduction <minimumf>, %select_n3A_238, %reduce_min3A_249 [1] : vector<256x3200xf32> to vector<256xf32>
    %broadcast_in_dim3A_251 = vector.shape_cast %reduce_min3A_250 : vector<256xf32> to vector<256x1xf32>
    %eq3A_252 = vector.broadcast %broadcast_in_dim3A_251 : vector<256x1xf32> to vector<256x3200xf32>
    %eq3A_253 = arith.cmpf oeq, %select_n3A_238, %eq3A_252 : vector<256x3200xf32>
    %jit3A_254 = arith.constant 2.000000e+30 : f32
    %broadcast_in_dim3A_255 = vector.broadcast %jit3A_254 : f32 to vector<256x3200xf32>
    %select_n3A_256 = arith.select %eq3A_253, %broadcast_in_dim3A_255, %select_n3A_238 : vector<256x3200xi1>, vector<256x3200xf32>
    %bitcast_convert_type3A_257 = tpu.bitcast %broadcast_in_dim3A_251 : vector<256x1xf32> -> vector<256x1xi32>
    %and3A_258 = arith.constant 4095 : i32
    %and3A_259 = vector.broadcast %and3A_258 : i32 to vector<256x1xi32>
    %and3A_260 = arith.andi %bitcast_convert_type3A_257, %and3A_259 : vector<256x1xi32>
    %eq3A_261 = arith.constant 10 : i32
    %eq3A_262 = vector.broadcast %eq3A_261 : i32 to vector<256x128xi32>
    %eq3A_263 = arith.cmpi eq, %iota3A_71, %eq3A_262 : vector<256x128xi32>
    %broadcast_in_dim3A_264 = vector.shape_cast %and3A_260 : vector<256x1xi32> to vector<256x1xi32>
    %broadcast_in_dim3A_265 = vector.broadcast %broadcast_in_dim3A_264 : vector<256x1xi32> to vector<256x128xi32>
    %select_n3A_266 = arith.select %eq3A_263, %broadcast_in_dim3A_265, %select_n3A_248 : vector<256x128xi1>, vector<256x128xi32>
    %reduce_min3A_267 = arith.constant dense<0x7F800000> : vector<256xf32>
    %reduce_min3A_268 = vector.multi_reduction <minimumf>, %select_n3A_256, %reduce_min3A_267 [1] : vector<256x3200xf32> to vector<256xf32>
    %broadcast_in_dim3A_269 = vector.shape_cast %reduce_min3A_268 : vector<256xf32> to vector<256x1xf32>
    %eq3A_270 = vector.broadcast %broadcast_in_dim3A_269 : vector<256x1xf32> to vector<256x3200xf32>
    %eq3A_271 = arith.cmpf oeq, %select_n3A_256, %eq3A_270 : vector<256x3200xf32>
    %jit3A_272 = arith.constant 2.000000e+30 : f32
    %broadcast_in_dim3A_273 = vector.broadcast %jit3A_272 : f32 to vector<256x3200xf32>
    %select_n3A_274 = arith.select %eq3A_271, %broadcast_in_dim3A_273, %select_n3A_256 : vector<256x3200xi1>, vector<256x3200xf32>
    %bitcast_convert_type3A_275 = tpu.bitcast %broadcast_in_dim3A_269 : vector<256x1xf32> -> vector<256x1xi32>
    %and3A_276 = arith.constant 4095 : i32
    %and3A_277 = vector.broadcast %and3A_276 : i32 to vector<256x1xi32>
    %and3A_278 = arith.andi %bitcast_convert_type3A_275, %and3A_277 : vector<256x1xi32>
    %eq3A_279 = arith.constant 11 : i32
    %eq3A_280 = vector.broadcast %eq3A_279 : i32 to vector<256x128xi32>
    %eq3A_281 = arith.cmpi eq, %iota3A_71, %eq3A_280 : vector<256x128xi32>
    %broadcast_in_dim3A_282 = vector.shape_cast %and3A_278 : vector<256x1xi32> to vector<256x1xi32>
    %broadcast_in_dim3A_283 = vector.broadcast %broadcast_in_dim3A_282 : vector<256x1xi32> to vector<256x128xi32>
    %select_n3A_284 = arith.select %eq3A_281, %broadcast_in_dim3A_283, %select_n3A_266 : vector<256x128xi1>, vector<256x128xi32>
    %reduce_min3A_285 = arith.constant dense<0x7F800000> : vector<256xf32>
    %reduce_min3A_286 = vector.multi_reduction <minimumf>, %select_n3A_274, %reduce_min3A_285 [1] : vector<256x3200xf32> to vector<256xf32>
    %broadcast_in_dim3A_287 = vector.shape_cast %reduce_min3A_286 : vector<256xf32> to vector<256x1xf32>
    %eq3A_288 = vector.broadcast %broadcast_in_dim3A_287 : vector<256x1xf32> to vector<256x3200xf32>
    %eq3A_289 = arith.cmpf oeq, %select_n3A_274, %eq3A_288 : vector<256x3200xf32>
    %jit3A_290 = arith.constant 2.000000e+30 : f32
    %broadcast_in_dim3A_291 = vector.broadcast %jit3A_290 : f32 to vector<256x3200xf32>
    %select_n3A_292 = arith.select %eq3A_289, %broadcast_in_dim3A_291, %select_n3A_274 : vector<256x3200xi1>, vector<256x3200xf32>
    %bitcast_convert_type3A_293 = tpu.bitcast %broadcast_in_dim3A_287 : vector<256x1xf32> -> vector<256x1xi32>
    %and3A_294 = arith.constant 4095 : i32
    %and3A_295 = vector.broadcast %and3A_294 : i32 to vector<256x1xi32>
    %and3A_296 = arith.andi %bitcast_convert_type3A_293, %and3A_295 : vector<256x1xi32>
    %eq3A_297 = arith.constant 12 : i32
    %eq3A_298 = vector.broadcast %eq3A_297 : i32 to vector<256x128xi32>
    %eq3A_299 = arith.cmpi eq, %iota3A_71, %eq3A_298 : vector<256x128xi32>
    %broadcast_in_dim3A_300 = vector.shape_cast %and3A_296 : vector<256x1xi32> to vector<256x1xi32>
    %broadcast_in_dim3A_301 = vector.broadcast %broadcast_in_dim3A_300 : vector<256x1xi32> to vector<256x128xi32>
    %select_n3A_302 = arith.select %eq3A_299, %broadcast_in_dim3A_301, %select_n3A_284 : vector<256x128xi1>, vector<256x128xi32>
    %reduce_min3A_303 = arith.constant dense<0x7F800000> : vector<256xf32>
    %reduce_min3A_304 = vector.multi_reduction <minimumf>, %select_n3A_292, %reduce_min3A_303 [1] : vector<256x3200xf32> to vector<256xf32>
    %broadcast_in_dim3A_305 = vector.shape_cast %reduce_min3A_304 : vector<256xf32> to vector<256x1xf32>
    %eq3A_306 = vector.broadcast %broadcast_in_dim3A_305 : vector<256x1xf32> to vector<256x3200xf32>
    %eq3A_307 = arith.cmpf oeq, %select_n3A_292, %eq3A_306 : vector<256x3200xf32>
    %jit3A_308 = arith.constant 2.000000e+30 : f32
    %broadcast_in_dim3A_309 = vector.broadcast %jit3A_308 : f32 to vector<256x3200xf32>
    %select_n3A_310 = arith.select %eq3A_307, %broadcast_in_dim3A_309, %select_n3A_292 : vector<256x3200xi1>, vector<256x3200xf32>
    %bitcast_convert_type3A_311 = tpu.bitcast %broadcast_in_dim3A_305 : vector<256x1xf32> -> vector<256x1xi32>
    %and3A_312 = arith.constant 4095 : i32
    %and3A_313 = vector.broadcast %and3A_312 : i32 to vector<256x1xi32>
    %and3A_314 = arith.andi %bitcast_convert_type3A_311, %and3A_313 : vector<256x1xi32>
    %eq3A_315 = arith.constant 13 : i32
    %eq3A_316 = vector.broadcast %eq3A_315 : i32 to vector<256x128xi32>
    %eq3A_317 = arith.cmpi eq, %iota3A_71, %eq3A_316 : vector<256x128xi32>
    %broadcast_in_dim3A_318 = vector.shape_cast %and3A_314 : vector<256x1xi32> to vector<256x1xi32>
    %broadcast_in_dim3A_319 = vector.broadcast %broadcast_in_dim3A_318 : vector<256x1xi32> to vector<256x128xi32>
    %select_n3A_320 = arith.select %eq3A_317, %broadcast_in_dim3A_319, %select_n3A_302 : vector<256x128xi1>, vector<256x128xi32>
    %reduce_min3A_321 = arith.constant dense<0x7F800000> : vector<256xf32>
    %reduce_min3A_322 = vector.multi_reduction <minimumf>, %select_n3A_310, %reduce_min3A_321 [1] : vector<256x3200xf32> to vector<256xf32>
    %broadcast_in_dim3A_323 = vector.shape_cast %reduce_min3A_322 : vector<256xf32> to vector<256x1xf32>
    %eq3A_324 = vector.broadcast %broadcast_in_dim3A_323 : vector<256x1xf32> to vector<256x3200xf32>
    %eq3A_325 = arith.cmpf oeq, %select_n3A_310, %eq3A_324 : vector<256x3200xf32>
    %jit3A_326 = arith.constant 2.000000e+30 : f32
    %broadcast_in_dim3A_327 = vector.broadcast %jit3A_326 : f32 to vector<256x3200xf32>
    %select_n3A_328 = arith.select %eq3A_325, %broadcast_in_dim3A_327, %select_n3A_310 : vector<256x3200xi1>, vector<256x3200xf32>
    %bitcast_convert_type3A_329 = tpu.bitcast %broadcast_in_dim3A_323 : vector<256x1xf32> -> vector<256x1xi32>
    %and3A_330 = arith.constant 4095 : i32
    %and3A_331 = vector.broadcast %and3A_330 : i32 to vector<256x1xi32>
    %and3A_332 = arith.andi %bitcast_convert_type3A_329, %and3A_331 : vector<256x1xi32>
    %eq3A_333 = arith.constant 14 : i32
    %eq3A_334 = vector.broadcast %eq3A_333 : i32 to vector<256x128xi32>
    %eq3A_335 = arith.cmpi eq, %iota3A_71, %eq3A_334 : vector<256x128xi32>
    %broadcast_in_dim3A_336 = vector.shape_cast %and3A_332 : vector<256x1xi32> to vector<256x1xi32>
    %broadcast_in_dim3A_337 = vector.broadcast %broadcast_in_dim3A_336 : vector<256x1xi32> to vector<256x128xi32>
    %select_n3A_338 = arith.select %eq3A_335, %broadcast_in_dim3A_337, %select_n3A_320 : vector<256x128xi1>, vector<256x128xi32>
    %reduce_min3A_339 = arith.constant dense<0x7F800000> : vector<256xf32>
    %reduce_min3A_340 = vector.multi_reduction <minimumf>, %select_n3A_328, %reduce_min3A_339 [1] : vector<256x3200xf32> to vector<256xf32>
    %broadcast_in_dim3A_341 = vector.shape_cast %reduce_min3A_340 : vector<256xf32> to vector<256x1xf32>
    %bitcast_convert_type3A_342 = tpu.bitcast %broadcast_in_dim3A_341 : vector<256x1xf32> -> vector<256x1xi32>
    %and3A_343 = arith.constant 4095 : i32
    %and3A_344 = vector.broadcast %and3A_343 : i32 to vector<256x1xi32>
    %and3A_345 = arith.andi %bitcast_convert_type3A_342, %and3A_344 : vector<256x1xi32>
    %eq3A_346 = arith.constant 15 : i32
    %eq3A_347 = vector.broadcast %eq3A_346 : i32 to vector<256x128xi32>
    %eq3A_348 = arith.cmpi eq, %iota3A_71, %eq3A_347 : vector<256x128xi32>
    %broadcast_in_dim3A_349 = vector.shape_cast %and3A_345 : vector<256x1xi32> to vector<256x1xi32>
    %broadcast_in_dim3A_350 = vector.broadcast %broadcast_in_dim3A_349 : vector<256x1xi32> to vector<256x128xi32>
    %select_n3A_351 = arith.select %eq3A_348, %broadcast_in_dim3A_350, %select_n3A_338 : vector<256x128xi1>, vector<256x128xi32>
    %slice3A = vector.extract_strided_slice %select_n3A_351 {offsets = [0, 0], sizes = [256, 16], strides = [1, 1]} : vector<256x128xi32> to vector<256x16xi32>
    %swap3A = arith.constant 0 : index
    %swap3A_352 = arith.constant 0 : index
    %swap3A_353 = vector.load %arg5[%swap3A, %swap3A_352] : memref<256x16xi32, #tpu.memory_space<vmem>>, vector<256x16xi32>
    tpu.vector_store %arg5[%swap3A, %swap3A_352], %slice3A {strides = array<i32>} : memref<256x16xi32, #tpu.memory_space<vmem>>, vector<256x16xi32>,
    return
  }
  func.func @transform_0(%arg0: i32) -> (i32, i32) {
    %c0_i32 = arith.constant 0 : i32
    %c0_i32_0 = arith.constant 0 : i32
    return %arg0, %c0_i32 : i32, i32
  }
  func.func @transform_1(%arg0: i32) -> (i32, i32) {
    %c0_i32 = arith.constant 0 : i32
    %c0_i32_0 = arith.constant 0 : i32
    return %arg0, %c0_i32 : i32, i32
  }
  func.func @transform_2(%arg0: i32) -> (i32, i32) {
    %c0_i32 = arith.constant 0 : i32
    %c0_i32_0 = arith.constant 0 : i32
    %c0_i32_1 = arith.constant 0 : i32
    return %c0_i32, %c0_i32_0 : i32, i32
  }
  func.func @transform_3(%arg0: i32) -> (i32, i32) {
    %c0_i32 = arith.constant 0 : i32
    %c0_i32_0 = arith.constant 0 : i32
    %c0_i32_1 = arith.constant 0 : i32
    return %c0_i32, %c0_i32_0 : i32, i32
  }
  func.func @transform_4(%arg0: i32) -> (i32, i32) {
    %c0_i32 = arith.constant 0 : i32
    %c0_i32_0 = arith.constant 0 : i32
    return %arg0, %c0_i32 : i32, i32
  }
}

module attributes {stable_mosaic.version = 14 : i64} {
  func.func @_cand_body(%arg0: i32, %arg1: memref<256x3xf32, #tpu.memory_space<vmem>>, %arg2: memref<256x3xf32, #tpu.memory_space<vmem>>, %arg3: memref<256x256xf32, #tpu.memory_space<vmem>>, %arg4: memref<256x256xf32, #tpu.memory_space<vmem>>, %arg5: memref<256x256xf32, #tpu.memory_space<vmem>>, %arg6: memref<256x256xi32, #tpu.memory_space<vmem>>, %arg7: memref<256x8xf32, #tpu.memory_space<vmem>>, %arg8: memref<256x8xf32, #tpu.memory_space<vmem>>, %arg9: memref<256x8xi32, #tpu.memory_space<vmem>>) attributes {dimension_semantics = [#tpu.dimension_semantics<arbitrary>], iteration_bounds = array<i64: 8>, scalar_prefetch = 0 : i64, scratch_operands = 0 : i64, tpu.core_type = #tpu.core_type<tc>, window_params = [{transform_indices = @transform_0, window_bounds = array<i64: 256, 3>}, {transform_indices = @transform_1, window_bounds = array<i64: 256, 3>}, {transform_indices = @transform_2, window_bounds = array<i64: 256, 256>}, {transform_indices = @transform_3, window_bounds = array<i64: 256, 256>}, {transform_indices = @transform_4, window_bounds = array<i64: 256, 256>}, {transform_indices = @transform_5, window_bounds = array<i64: 256, 256>}, {transform_indices = @transform_6, window_bounds = array<i64: 256, 8>}, {transform_indices = @transform_7, window_bounds = array<i64: 256, 8>}, {transform_indices = @transform_8, window_bounds = array<i64: 256, 8>}]} {
    %get3A = arith.constant 0 : index
    %get3A_0 = arith.constant 0 : index
    %get3A_1 = vector.load %arg1[%get3A, %get3A_0] : memref<256x3xf32, #tpu.memory_space<vmem>>, vector<256x1xf32>
    %get3A_2 = arith.constant 0 : index
    %get3A_3 = arith.constant 1 : index
    %get3A_4 = vector.load %arg1[%get3A_2, %get3A_3] : memref<256x3xf32, #tpu.memory_space<vmem>>, vector<256x1xf32>
    %get3A_5 = arith.constant 0 : index
    %get3A_6 = arith.constant 2 : index
    %get3A_7 = vector.load %arg1[%get3A_5, %get3A_6] : memref<256x3xf32, #tpu.memory_space<vmem>>, vector<256x1xf32>
    %get3A_8 = arith.constant 0 : index
    %get3A_9 = arith.constant 0 : index
    %get3A_10 = vector.load %arg2[%get3A_8, %get3A_9] : memref<256x3xf32, #tpu.memory_space<vmem>>, vector<256x1xf32>
    %get3A_11 = arith.constant 0 : index
    %get3A_12 = arith.constant 1 : index
    %get3A_13 = vector.load %arg2[%get3A_11, %get3A_12] : memref<256x3xf32, #tpu.memory_space<vmem>>, vector<256x1xf32>
    %get3A_14 = arith.constant 0 : index
    %get3A_15 = arith.constant 2 : index
    %get3A_16 = vector.load %arg2[%get3A_14, %get3A_15] : memref<256x3xf32, #tpu.memory_space<vmem>>, vector<256x1xf32>
    %mul3A = arith.mulf %get3A_10, %get3A_10 : vector<256x1xf32>
    %mul3A_17 = arith.mulf %get3A_13, %get3A_13 : vector<256x1xf32>
    %add3A = arith.addf %mul3A, %mul3A_17 : vector<256x1xf32>
    %mul3A_18 = arith.mulf %get3A_16, %get3A_16 : vector<256x1xf32>
    %add3A_19 = arith.addf %add3A, %mul3A_18 : vector<256x1xf32>
    %add3A_20 = arith.constant 9.99999996E-13 : f32
    %add3A_21 = vector.broadcast %add3A_20 : f32 to vector<256x1xf32>
    %add3A_22 = arith.addf %add3A_19, %add3A_21 : vector<256x1xf32>
    %sqrt3A = math.sqrt %add3A_22 : vector<256x1xf32>
    %div3A = arith.constant 1.000000e+00 : f32
    %div3A_23 = vector.broadcast %div3A : f32 to vector<256x1xf32>
    %div3A_24 = arith.divf %div3A_23, %sqrt3A : vector<256x1xf32>
    %mul3A_25 = arith.mulf %get3A_10, %div3A_24 : vector<256x1xf32>
    %mul3A_26 = arith.mulf %get3A_13, %div3A_24 : vector<256x1xf32>
    %mul3A_27 = arith.mulf %get3A_16, %div3A_24 : vector<256x1xf32>
    %get3A_28 = arith.constant 0 : index
    %get3A_29 = arith.constant 0 : index
    %get3A_30 = vector.load %arg6[%get3A_28, %get3A_29] : memref<256x256xi32, #tpu.memory_space<vmem>>, vector<256x256xi32>
    %iota3A = tpu.iota {dimensions = array<i32: 1>} : vector<256x256xi32>
    %jit3A = arith.constant 128 : i32
    %div3A_31 = vector.broadcast %jit3A : i32 to vector<256x256xi32>
    %div3A_32 = arith.divsi %get3A_30, %div3A_31 : vector<256x256xi32>
    %sign3A = arith.constant 0 : i32
    %sign3A_33 = vector.broadcast %sign3A : i32 to vector<256x256xi32>
    %sign3A_34 = arith.cmpi sgt, %get3A_30, %sign3A_33 : vector<256x256xi32>
    %sign3A_35 = arith.extui %sign3A_34 : vector<256x256xi1> to vector<256x256xi32>
    %sign3A_36 = arith.constant 0 : i32
    %sign3A_37 = vector.broadcast %sign3A_36 : i32 to vector<256x256xi32>
    %sign3A_38 = arith.cmpi slt, %get3A_30, %sign3A_37 : vector<256x256xi32>
    %sign3A_39 = arith.extui %sign3A_38 : vector<256x256xi1> to vector<256x256xi32>
    %sign3A_40 = arith.subi %sign3A_35, %sign3A_39 : vector<256x256xi32>
    %sign3A_41 = arith.constant 0 : i32
    %sign3A_42 = arith.cmpi sgt, %jit3A, %sign3A_41 : i32
    %sign3A_43 = arith.extui %sign3A_42 : i1 to i32
    %sign3A_44 = arith.constant 0 : i32
    %sign3A_45 = arith.cmpi slt, %jit3A, %sign3A_44 : i32
    %sign3A_46 = arith.extui %sign3A_45 : i1 to i32
    %sign3A_47 = arith.subi %sign3A_43, %sign3A_46 : i32
    %ne3A = vector.broadcast %sign3A_47 : i32 to vector<256x256xi32>
    %ne3A_48 = arith.cmpi ne, %sign3A_40, %ne3A : vector<256x256xi32>
    %rem3A = vector.broadcast %jit3A : i32 to vector<256x256xi32>
    %rem3A_49 = arith.remsi %get3A_30, %rem3A : vector<256x256xi32>
    %ne3A_50 = arith.constant 0 : i32
    %ne3A_51 = vector.broadcast %ne3A_50 : i32 to vector<256x256xi32>
    %ne3A_52 = arith.cmpi ne, %rem3A_49, %ne3A_51 : vector<256x256xi32>
    %and3A = arith.andi %ne3A_48, %ne3A_52 : vector<256x256xi1>
    %sub3A = arith.constant 1 : i32
    %sub3A_53 = vector.broadcast %sub3A : i32 to vector<256x256xi32>
    %sub3A_54 = arith.subi %div3A_32, %sub3A_53 : vector<256x256xi32>
    %select_n3A = arith.select %and3A, %sub3A_54, %div3A_32 : vector<256x256xi1>, vector<256x256xi32>
    %mul3A_55 = arith.constant 2048 : i32
    %mul3A_56 = vector.broadcast %mul3A_55 : i32 to vector<256x256xi32>
    %mul3A_57 = arith.muli %select_n3A, %mul3A_56 : vector<256x256xi32>
    %jit3A_58 = arith.constant 128 : i32
    %eq3A = arith.constant 0 : i32
    %eq3A_59 = arith.cmpi eq, %jit3A_58, %eq3A : i32
    %jit3A_60 = arith.constant 1 : i32
    %select_n3A_61 = arith.select %eq3A_59, %jit3A_60, %jit3A_58 : i32
    %rem3A_62 = vector.broadcast %select_n3A_61 : i32 to vector<256x256xi32>
    %rem3A_63 = arith.remsi %get3A_30, %rem3A_62 : vector<256x256xi32>
    %ne3A_64 = arith.constant 0 : i32
    %ne3A_65 = vector.broadcast %ne3A_64 : i32 to vector<256x256xi32>
    %ne3A_66 = arith.cmpi ne, %rem3A_63, %ne3A_65 : vector<256x256xi32>
    %lt3A = arith.constant 0 : i32
    %lt3A_67 = vector.broadcast %lt3A : i32 to vector<256x256xi32>
    %lt3A_68 = arith.cmpi slt, %rem3A_63, %lt3A_67 : vector<256x256xi32>
    %lt3A_69 = arith.constant 0 : i32
    %lt3A_70 = arith.cmpi slt, %select_n3A_61, %lt3A_69 : i32
    %ne3A_71 = vector.broadcast %lt3A_70 : i1 to vector<256x256xi1>
    %ne3A_72 = vector.broadcast %ne3A_71 : vector<256x256xi1> to vector<256x256xi1>
    %ne3A_73 = arith.xori %lt3A_68, %ne3A_72 : vector<256x256xi1>
    %and3A_74 = arith.andi %ne3A_73, %ne3A_66 : vector<256x256xi1>
    %add3A_75 = vector.broadcast %select_n3A_61 : i32 to vector<256x256xi32>
    %add3A_76 = arith.addi %rem3A_63, %add3A_75 : vector<256x256xi32>
    %select_n3A_77 = arith.select %and3A_74, %add3A_76, %rem3A_63 : vector<256x256xi1>, vector<256x256xi32>
    %add3A_78 = arith.addi %mul3A_57, %select_n3A_77 : vector<256x256xi32>
    %jit3A_79 = arith.constant 16 : i32
    %eq3A_80 = arith.constant 0 : i32
    %eq3A_81 = arith.cmpi eq, %jit3A_79, %eq3A_80 : i32
    %jit3A_82 = arith.constant 1 : i32
    %select_n3A_83 = arith.select %eq3A_81, %jit3A_82, %jit3A_79 : i32
    %rem3A_84 = vector.broadcast %select_n3A_83 : i32 to vector<256x256xi32>
    %rem3A_85 = arith.remsi %iota3A, %rem3A_84 : vector<256x256xi32>
    %ne3A_86 = arith.constant 0 : i32
    %ne3A_87 = vector.broadcast %ne3A_86 : i32 to vector<256x256xi32>
    %ne3A_88 = arith.cmpi ne, %rem3A_85, %ne3A_87 : vector<256x256xi32>
    %lt3A_89 = arith.constant 0 : i32
    %lt3A_90 = vector.broadcast %lt3A_89 : i32 to vector<256x256xi32>
    %lt3A_91 = arith.cmpi slt, %rem3A_85, %lt3A_90 : vector<256x256xi32>
    %lt3A_92 = arith.constant 0 : i32
    %lt3A_93 = arith.cmpi slt, %select_n3A_83, %lt3A_92 : i32
    %ne3A_94 = vector.broadcast %lt3A_93 : i1 to vector<256x256xi1>
    %ne3A_95 = vector.broadcast %ne3A_94 : vector<256x256xi1> to vector<256x256xi1>
    %ne3A_96 = arith.xori %lt3A_91, %ne3A_95 : vector<256x256xi1>
    %and3A_97 = arith.andi %ne3A_96, %ne3A_88 : vector<256x256xi1>
    %add3A_98 = vector.broadcast %select_n3A_83 : i32 to vector<256x256xi32>
    %add3A_99 = arith.addi %rem3A_85, %add3A_98 : vector<256x256xi32>
    %select_n3A_100 = arith.select %and3A_97, %add3A_99, %rem3A_85 : vector<256x256xi1>, vector<256x256xi32>
    %mul3A_101 = arith.constant 128 : i32
    %mul3A_102 = vector.broadcast %mul3A_101 : i32 to vector<256x256xi32>
    %mul3A_103 = arith.muli %select_n3A_100, %mul3A_102 : vector<256x256xi32>
    %add3A_104 = arith.addi %add3A_78, %mul3A_103 : vector<256x256xi32>
    %get3A_105 = arith.constant 0 : index
    %get3A_106 = arith.constant 0 : index
    %get3A_107 = vector.load %arg3[%get3A_105, %get3A_106] : memref<256x256xf32, #tpu.memory_space<vmem>>, vector<256x256xf32>
    %get3A_108 = arith.constant 0 : index
    %get3A_109 = arith.constant 0 : index
    %get3A_110 = vector.load %arg4[%get3A_108, %get3A_109] : memref<256x256xf32, #tpu.memory_space<vmem>>, vector<256x256xf32>
    %get3A_111 = arith.constant 0 : index
    %get3A_112 = arith.constant 0 : index
    %get3A_113 = vector.load %arg5[%get3A_111, %get3A_112] : memref<256x256xf32, #tpu.memory_space<vmem>>, vector<256x256xf32>
    %sub3A_114 = vector.broadcast %get3A_1 : vector<256x1xf32> to vector<256x256xf32>
    %sub3A_115 = arith.subf %get3A_107, %sub3A_114 : vector<256x256xf32>
    %sub3A_116 = vector.broadcast %get3A_4 : vector<256x1xf32> to vector<256x256xf32>
    %sub3A_117 = arith.subf %get3A_110, %sub3A_116 : vector<256x256xf32>
    %sub3A_118 = vector.broadcast %get3A_7 : vector<256x1xf32> to vector<256x256xf32>
    %sub3A_119 = arith.subf %get3A_113, %sub3A_118 : vector<256x256xf32>
    %mul3A_120 = vector.broadcast %mul3A_25 : vector<256x1xf32> to vector<256x256xf32>
    %mul3A_121 = arith.mulf %sub3A_115, %mul3A_120 : vector<256x256xf32>
    %mul3A_122 = vector.broadcast %mul3A_26 : vector<256x1xf32> to vector<256x256xf32>
    %mul3A_123 = arith.mulf %sub3A_117, %mul3A_122 : vector<256x256xf32>
    %add3A_124 = arith.addf %mul3A_121, %mul3A_123 : vector<256x256xf32>
    %mul3A_125 = vector.broadcast %mul3A_27 : vector<256x1xf32> to vector<256x256xf32>
    %mul3A_126 = arith.mulf %sub3A_119, %mul3A_125 : vector<256x256xf32>
    %add3A_127 = arith.addf %add3A_124, %mul3A_126 : vector<256x256xf32>
    %mul3A_128 = vector.broadcast %mul3A_25 : vector<256x1xf32> to vector<256x256xf32>
    %mul3A_129 = arith.mulf %add3A_127, %mul3A_128 : vector<256x256xf32>
    %sub3A_130 = arith.subf %sub3A_115, %mul3A_129 : vector<256x256xf32>
    %mul3A_131 = vector.broadcast %mul3A_26 : vector<256x1xf32> to vector<256x256xf32>
    %mul3A_132 = arith.mulf %add3A_127, %mul3A_131 : vector<256x256xf32>
    %sub3A_133 = arith.subf %sub3A_117, %mul3A_132 : vector<256x256xf32>
    %mul3A_134 = vector.broadcast %mul3A_27 : vector<256x1xf32> to vector<256x256xf32>
    %mul3A_135 = arith.mulf %add3A_127, %mul3A_134 : vector<256x256xf32>
    %sub3A_136 = arith.subf %sub3A_119, %mul3A_135 : vector<256x256xf32>
    %mul3A_137 = arith.mulf %sub3A_130, %sub3A_130 : vector<256x256xf32>
    %mul3A_138 = arith.mulf %sub3A_133, %sub3A_133 : vector<256x256xf32>
    %add3A_139 = arith.addf %mul3A_137, %mul3A_138 : vector<256x256xf32>
    %mul3A_140 = arith.mulf %sub3A_136, %sub3A_136 : vector<256x256xf32>
    %add3A_141 = arith.addf %add3A_139, %mul3A_140 : vector<256x256xf32>
    %max3A = arith.constant 9.99999996E-13 : f32
    %max3A_142 = vector.broadcast %max3A : f32 to vector<256x256xf32>
    %max3A_143 = arith.maximumf %add3A_141, %max3A_142 : vector<256x256xf32>
    %sqrt3A_144 = math.sqrt %max3A_143 : vector<256x256xf32>
    %lt3A_145 = arith.constant 50000 : i32
    %lt3A_146 = vector.broadcast %lt3A_145 : i32 to vector<256x256xi32>
    %lt3A_147 = arith.cmpi slt, %add3A_104, %lt3A_146 : vector<256x256xi32>
    %jit3A_148 = arith.constant 1.000000e+30 : f32
    %broadcast_in_dim3A = vector.broadcast %jit3A_148 : f32 to vector<256x256xf32>
    %select_n3A_149 = arith.select %lt3A_147, %sqrt3A_144, %broadcast_in_dim3A : vector<256x256xi1>, vector<256x256xf32>
    %iota3A_150 = tpu.iota {dimensions = array<i32: 1>} : vector<256x128xi32>
    %broadcast_in_dim3A_151 = arith.constant 1.000000e+30 : f32
    %broadcast_in_dim3A_152 = vector.broadcast %broadcast_in_dim3A_151 : f32 to vector<256x128xf32>
    %broadcast_in_dim3A_153 = arith.constant 0.000000e+00 : f32
    %broadcast_in_dim3A_154 = vector.broadcast %broadcast_in_dim3A_153 : f32 to vector<256x128xf32>
    %broadcast_in_dim3A_155 = arith.constant 1073741824 : i32
    %broadcast_in_dim3A_156 = vector.broadcast %broadcast_in_dim3A_155 : i32 to vector<256x128xi32>
    %reduce_min3A = arith.constant dense<0x7F800000> : vector<256xf32>
    %reduce_min3A_157 = vector.multi_reduction <minimumf>, %select_n3A_149, %reduce_min3A [1] : vector<256x256xf32> to vector<256xf32>
    %broadcast_in_dim3A_158 = vector.shape_cast %reduce_min3A_157 : vector<256xf32> to vector<256x1xf32>
    %eq3A_159 = vector.broadcast %broadcast_in_dim3A_158 : vector<256x1xf32> to vector<256x256xf32>
    %eq3A_160 = arith.cmpf oeq, %select_n3A_149, %eq3A_159 : vector<256x256xf32>
    %jit3A_161 = arith.constant 1073741824 : i32
    %broadcast_in_dim3A_162 = vector.broadcast %jit3A_161 : i32 to vector<256x256xi32>
    %select_n3A_163 = arith.select %eq3A_160, %add3A_104, %broadcast_in_dim3A_162 : vector<256x256xi1>, vector<256x256xi32>
    %reduce_min3A_164 = arith.constant dense<2147483647> : vector<256xi32>
    %reduce_min3A_165 = vector.multi_reduction <minsi>, %select_n3A_163, %reduce_min3A_164 [1] : vector<256x256xi32> to vector<256xi32>
    %broadcast_in_dim3A_166 = vector.shape_cast %reduce_min3A_165 : vector<256xi32> to vector<256x1xi32>
    %eq3A_167 = vector.broadcast %broadcast_in_dim3A_166 : vector<256x1xi32> to vector<256x256xi32>
    %eq3A_168 = arith.cmpi eq, %add3A_104, %eq3A_167 : vector<256x256xi32>
    %jit3A_169 = arith.constant 0.000000e+00 : f32
    %broadcast_in_dim3A_170 = vector.broadcast %jit3A_169 : f32 to vector<256x256xf32>
    %select_n3A_171 = arith.select %eq3A_168, %add3A_127, %broadcast_in_dim3A_170 : vector<256x256xi1>, vector<256x256xf32>
    %reduce_sum3A = arith.constant dense<0.000000e+00> : vector<256xf32>
    %reduce_sum3A_172 = vector.multi_reduction <add>, %select_n3A_171, %reduce_sum3A [1] : vector<256x256xf32> to vector<256xf32>
    %broadcast_in_dim3A_173 = vector.shape_cast %reduce_sum3A_172 : vector<256xf32> to vector<256x1xf32>
    %jit3A_174 = arith.constant 1.000000e+30 : f32
    %broadcast_in_dim3A_175 = vector.broadcast %jit3A_174 : f32 to vector<256x256xf32>
    %select_n3A_176 = arith.select %eq3A_168, %broadcast_in_dim3A_175, %select_n3A_149 : vector<256x256xi1>, vector<256x256xf32>
    %eq3A_177 = arith.constant 0 : i32
    %eq3A_178 = vector.broadcast %eq3A_177 : i32 to vector<256x128xi32>
    %eq3A_179 = arith.cmpi eq, %iota3A_150, %eq3A_178 : vector<256x128xi32>
    %broadcast_in_dim3A_180 = vector.shape_cast %broadcast_in_dim3A_158 : vector<256x1xf32> to vector<256x1xf32>
    %broadcast_in_dim3A_181 = vector.broadcast %broadcast_in_dim3A_180 : vector<256x1xf32> to vector<256x128xf32>
    %select_n3A_182 = arith.select %eq3A_179, %broadcast_in_dim3A_181, %broadcast_in_dim3A_152 : vector<256x128xi1>, vector<256x128xf32>
    %eq3A_183 = arith.constant 0 : i32
    %eq3A_184 = vector.broadcast %eq3A_183 : i32 to vector<256x128xi32>
    %eq3A_185 = arith.cmpi eq, %iota3A_150, %eq3A_184 : vector<256x128xi32>
    %broadcast_in_dim3A_186 = vector.shape_cast %broadcast_in_dim3A_173 : vector<256x1xf32> to vector<256x1xf32>
    %broadcast_in_dim3A_187 = vector.broadcast %broadcast_in_dim3A_186 : vector<256x1xf32> to vector<256x128xf32>
    %select_n3A_188 = arith.select %eq3A_185, %broadcast_in_dim3A_187, %broadcast_in_dim3A_154 : vector<256x128xi1>, vector<256x128xf32>
    %eq3A_189 = arith.constant 0 : i32
    %eq3A_190 = vector.broadcast %eq3A_189 : i32 to vector<256x128xi32>
    %eq3A_191 = arith.cmpi eq, %iota3A_150, %eq3A_190 : vector<256x128xi32>
    %broadcast_in_dim3A_192 = vector.shape_cast %broadcast_in_dim3A_166 : vector<256x1xi32> to vector<256x1xi32>
    %broadcast_in_dim3A_193 = vector.broadcast %broadcast_in_dim3A_192 : vector<256x1xi32> to vector<256x128xi32>
    %select_n3A_194 = arith.select %eq3A_191, %broadcast_in_dim3A_193, %broadcast_in_dim3A_156 : vector<256x128xi1>, vector<256x128xi32>
    %reduce_min3A_195 = arith.constant dense<0x7F800000> : vector<256xf32>
    %reduce_min3A_196 = vector.multi_reduction <minimumf>, %select_n3A_176, %reduce_min3A_195 [1] : vector<256x256xf32> to vector<256xf32>
    %broadcast_in_dim3A_197 = vector.shape_cast %reduce_min3A_196 : vector<256xf32> to vector<256x1xf32>
    %eq3A_198 = vector.broadcast %broadcast_in_dim3A_197 : vector<256x1xf32> to vector<256x256xf32>
    %eq3A_199 = arith.cmpf oeq, %select_n3A_176, %eq3A_198 : vector<256x256xf32>
    %jit3A_200 = arith.constant 1073741824 : i32
    %broadcast_in_dim3A_201 = vector.broadcast %jit3A_200 : i32 to vector<256x256xi32>
    %select_n3A_202 = arith.select %eq3A_199, %add3A_104, %broadcast_in_dim3A_201 : vector<256x256xi1>, vector<256x256xi32>
    %reduce_min3A_203 = arith.constant dense<2147483647> : vector<256xi32>
    %reduce_min3A_204 = vector.multi_reduction <minsi>, %select_n3A_202, %reduce_min3A_203 [1] : vector<256x256xi32> to vector<256xi32>
    %broadcast_in_dim3A_205 = vector.shape_cast %reduce_min3A_204 : vector<256xi32> to vector<256x1xi32>
    %eq3A_206 = vector.broadcast %broadcast_in_dim3A_205 : vector<256x1xi32> to vector<256x256xi32>
    %eq3A_207 = arith.cmpi eq, %add3A_104, %eq3A_206 : vector<256x256xi32>
    %jit3A_208 = arith.constant 0.000000e+00 : f32
    %broadcast_in_dim3A_209 = vector.broadcast %jit3A_208 : f32 to vector<256x256xf32>
    %select_n3A_210 = arith.select %eq3A_207, %add3A_127, %broadcast_in_dim3A_209 : vector<256x256xi1>, vector<256x256xf32>
    %reduce_sum3A_211 = arith.constant dense<0.000000e+00> : vector<256xf32>
    %reduce_sum3A_212 = vector.multi_reduction <add>, %select_n3A_210, %reduce_sum3A_211 [1] : vector<256x256xf32> to vector<256xf32>
    %broadcast_in_dim3A_213 = vector.shape_cast %reduce_sum3A_212 : vector<256xf32> to vector<256x1xf32>
    %jit3A_214 = arith.constant 1.000000e+30 : f32
    %broadcast_in_dim3A_215 = vector.broadcast %jit3A_214 : f32 to vector<256x256xf32>
    %select_n3A_216 = arith.select %eq3A_207, %broadcast_in_dim3A_215, %select_n3A_176 : vector<256x256xi1>, vector<256x256xf32>
    %eq3A_217 = arith.constant 1 : i32
    %eq3A_218 = vector.broadcast %eq3A_217 : i32 to vector<256x128xi32>
    %eq3A_219 = arith.cmpi eq, %iota3A_150, %eq3A_218 : vector<256x128xi32>
    %broadcast_in_dim3A_220 = vector.shape_cast %broadcast_in_dim3A_197 : vector<256x1xf32> to vector<256x1xf32>
    %broadcast_in_dim3A_221 = vector.broadcast %broadcast_in_dim3A_220 : vector<256x1xf32> to vector<256x128xf32>
    %select_n3A_222 = arith.select %eq3A_219, %broadcast_in_dim3A_221, %select_n3A_182 : vector<256x128xi1>, vector<256x128xf32>
    %eq3A_223 = arith.constant 1 : i32
    %eq3A_224 = vector.broadcast %eq3A_223 : i32 to vector<256x128xi32>
    %eq3A_225 = arith.cmpi eq, %iota3A_150, %eq3A_224 : vector<256x128xi32>
    %broadcast_in_dim3A_226 = vector.shape_cast %broadcast_in_dim3A_213 : vector<256x1xf32> to vector<256x1xf32>
    %broadcast_in_dim3A_227 = vector.broadcast %broadcast_in_dim3A_226 : vector<256x1xf32> to vector<256x128xf32>
    %select_n3A_228 = arith.select %eq3A_225, %broadcast_in_dim3A_227, %select_n3A_188 : vector<256x128xi1>, vector<256x128xf32>
    %eq3A_229 = arith.constant 1 : i32
    %eq3A_230 = vector.broadcast %eq3A_229 : i32 to vector<256x128xi32>
    %eq3A_231 = arith.cmpi eq, %iota3A_150, %eq3A_230 : vector<256x128xi32>
    %broadcast_in_dim3A_232 = vector.shape_cast %broadcast_in_dim3A_205 : vector<256x1xi32> to vector<256x1xi32>
    %broadcast_in_dim3A_233 = vector.broadcast %broadcast_in_dim3A_232 : vector<256x1xi32> to vector<256x128xi32>
    %select_n3A_234 = arith.select %eq3A_231, %broadcast_in_dim3A_233, %select_n3A_194 : vector<256x128xi1>, vector<256x128xi32>
    %reduce_min3A_235 = arith.constant dense<0x7F800000> : vector<256xf32>
    %reduce_min3A_236 = vector.multi_reduction <minimumf>, %select_n3A_216, %reduce_min3A_235 [1] : vector<256x256xf32> to vector<256xf32>
    %broadcast_in_dim3A_237 = vector.shape_cast %reduce_min3A_236 : vector<256xf32> to vector<256x1xf32>
    %eq3A_238 = vector.broadcast %broadcast_in_dim3A_237 : vector<256x1xf32> to vector<256x256xf32>
    %eq3A_239 = arith.cmpf oeq, %select_n3A_216, %eq3A_238 : vector<256x256xf32>
    %jit3A_240 = arith.constant 1073741824 : i32
    %broadcast_in_dim3A_241 = vector.broadcast %jit3A_240 : i32 to vector<256x256xi32>
    %select_n3A_242 = arith.select %eq3A_239, %add3A_104, %broadcast_in_dim3A_241 : vector<256x256xi1>, vector<256x256xi32>
    %reduce_min3A_243 = arith.constant dense<2147483647> : vector<256xi32>
    %reduce_min3A_244 = vector.multi_reduction <minsi>, %select_n3A_242, %reduce_min3A_243 [1] : vector<256x256xi32> to vector<256xi32>
    %broadcast_in_dim3A_245 = vector.shape_cast %reduce_min3A_244 : vector<256xi32> to vector<256x1xi32>
    %eq3A_246 = vector.broadcast %broadcast_in_dim3A_245 : vector<256x1xi32> to vector<256x256xi32>
    %eq3A_247 = arith.cmpi eq, %add3A_104, %eq3A_246 : vector<256x256xi32>
    %jit3A_248 = arith.constant 0.000000e+00 : f32
    %broadcast_in_dim3A_249 = vector.broadcast %jit3A_248 : f32 to vector<256x256xf32>
    %select_n3A_250 = arith.select %eq3A_247, %add3A_127, %broadcast_in_dim3A_249 : vector<256x256xi1>, vector<256x256xf32>
    %reduce_sum3A_251 = arith.constant dense<0.000000e+00> : vector<256xf32>
    %reduce_sum3A_252 = vector.multi_reduction <add>, %select_n3A_250, %reduce_sum3A_251 [1] : vector<256x256xf32> to vector<256xf32>
    %broadcast_in_dim3A_253 = vector.shape_cast %reduce_sum3A_252 : vector<256xf32> to vector<256x1xf32>
    %jit3A_254 = arith.constant 1.000000e+30 : f32
    %broadcast_in_dim3A_255 = vector.broadcast %jit3A_254 : f32 to vector<256x256xf32>
    %select_n3A_256 = arith.select %eq3A_247, %broadcast_in_dim3A_255, %select_n3A_216 : vector<256x256xi1>, vector<256x256xf32>
    %eq3A_257 = arith.constant 2 : i32
    %eq3A_258 = vector.broadcast %eq3A_257 : i32 to vector<256x128xi32>
    %eq3A_259 = arith.cmpi eq, %iota3A_150, %eq3A_258 : vector<256x128xi32>
    %broadcast_in_dim3A_260 = vector.shape_cast %broadcast_in_dim3A_237 : vector<256x1xf32> to vector<256x1xf32>
    %broadcast_in_dim3A_261 = vector.broadcast %broadcast_in_dim3A_260 : vector<256x1xf32> to vector<256x128xf32>
    %select_n3A_262 = arith.select %eq3A_259, %broadcast_in_dim3A_261, %select_n3A_222 : vector<256x128xi1>, vector<256x128xf32>
    %eq3A_263 = arith.constant 2 : i32
    %eq3A_264 = vector.broadcast %eq3A_263 : i32 to vector<256x128xi32>
    %eq3A_265 = arith.cmpi eq, %iota3A_150, %eq3A_264 : vector<256x128xi32>
    %broadcast_in_dim3A_266 = vector.shape_cast %broadcast_in_dim3A_253 : vector<256x1xf32> to vector<256x1xf32>
    %broadcast_in_dim3A_267 = vector.broadcast %broadcast_in_dim3A_266 : vector<256x1xf32> to vector<256x128xf32>
    %select_n3A_268 = arith.select %eq3A_265, %broadcast_in_dim3A_267, %select_n3A_228 : vector<256x128xi1>, vector<256x128xf32>
    %eq3A_269 = arith.constant 2 : i32
    %eq3A_270 = vector.broadcast %eq3A_269 : i32 to vector<256x128xi32>
    %eq3A_271 = arith.cmpi eq, %iota3A_150, %eq3A_270 : vector<256x128xi32>
    %broadcast_in_dim3A_272 = vector.shape_cast %broadcast_in_dim3A_245 : vector<256x1xi32> to vector<256x1xi32>
    %broadcast_in_dim3A_273 = vector.broadcast %broadcast_in_dim3A_272 : vector<256x1xi32> to vector<256x128xi32>
    %select_n3A_274 = arith.select %eq3A_271, %broadcast_in_dim3A_273, %select_n3A_234 : vector<256x128xi1>, vector<256x128xi32>
    %reduce_min3A_275 = arith.constant dense<0x7F800000> : vector<256xf32>
    %reduce_min3A_276 = vector.multi_reduction <minimumf>, %select_n3A_256, %reduce_min3A_275 [1] : vector<256x256xf32> to vector<256xf32>
    %broadcast_in_dim3A_277 = vector.shape_cast %reduce_min3A_276 : vector<256xf32> to vector<256x1xf32>
    %eq3A_278 = vector.broadcast %broadcast_in_dim3A_277 : vector<256x1xf32> to vector<256x256xf32>
    %eq3A_279 = arith.cmpf oeq, %select_n3A_256, %eq3A_278 : vector<256x256xf32>
    %jit3A_280 = arith.constant 1073741824 : i32
    %broadcast_in_dim3A_281 = vector.broadcast %jit3A_280 : i32 to vector<256x256xi32>
    %select_n3A_282 = arith.select %eq3A_279, %add3A_104, %broadcast_in_dim3A_281 : vector<256x256xi1>, vector<256x256xi32>
    %reduce_min3A_283 = arith.constant dense<2147483647> : vector<256xi32>
    %reduce_min3A_284 = vector.multi_reduction <minsi>, %select_n3A_282, %reduce_min3A_283 [1] : vector<256x256xi32> to vector<256xi32>
    %broadcast_in_dim3A_285 = vector.shape_cast %reduce_min3A_284 : vector<256xi32> to vector<256x1xi32>
    %eq3A_286 = vector.broadcast %broadcast_in_dim3A_285 : vector<256x1xi32> to vector<256x256xi32>
    %eq3A_287 = arith.cmpi eq, %add3A_104, %eq3A_286 : vector<256x256xi32>
    %jit3A_288 = arith.constant 0.000000e+00 : f32
    %broadcast_in_dim3A_289 = vector.broadcast %jit3A_288 : f32 to vector<256x256xf32>
    %select_n3A_290 = arith.select %eq3A_287, %add3A_127, %broadcast_in_dim3A_289 : vector<256x256xi1>, vector<256x256xf32>
    %reduce_sum3A_291 = arith.constant dense<0.000000e+00> : vector<256xf32>
    %reduce_sum3A_292 = vector.multi_reduction <add>, %select_n3A_290, %reduce_sum3A_291 [1] : vector<256x256xf32> to vector<256xf32>
    %broadcast_in_dim3A_293 = vector.shape_cast %reduce_sum3A_292 : vector<256xf32> to vector<256x1xf32>
    %jit3A_294 = arith.constant 1.000000e+30 : f32
    %broadcast_in_dim3A_295 = vector.broadcast %jit3A_294 : f32 to vector<256x256xf32>
    %select_n3A_296 = arith.select %eq3A_287, %broadcast_in_dim3A_295, %select_n3A_256 : vector<256x256xi1>, vector<256x256xf32>
    %eq3A_297 = arith.constant 3 : i32
    %eq3A_298 = vector.broadcast %eq3A_297 : i32 to vector<256x128xi32>
    %eq3A_299 = arith.cmpi eq, %iota3A_150, %eq3A_298 : vector<256x128xi32>
    %broadcast_in_dim3A_300 = vector.shape_cast %broadcast_in_dim3A_277 : vector<256x1xf32> to vector<256x1xf32>
    %broadcast_in_dim3A_301 = vector.broadcast %broadcast_in_dim3A_300 : vector<256x1xf32> to vector<256x128xf32>
    %select_n3A_302 = arith.select %eq3A_299, %broadcast_in_dim3A_301, %select_n3A_262 : vector<256x128xi1>, vector<256x128xf32>
    %eq3A_303 = arith.constant 3 : i32
    %eq3A_304 = vector.broadcast %eq3A_303 : i32 to vector<256x128xi32>
    %eq3A_305 = arith.cmpi eq, %iota3A_150, %eq3A_304 : vector<256x128xi32>
    %broadcast_in_dim3A_306 = vector.shape_cast %broadcast_in_dim3A_293 : vector<256x1xf32> to vector<256x1xf32>
    %broadcast_in_dim3A_307 = vector.broadcast %broadcast_in_dim3A_306 : vector<256x1xf32> to vector<256x128xf32>
    %select_n3A_308 = arith.select %eq3A_305, %broadcast_in_dim3A_307, %select_n3A_268 : vector<256x128xi1>, vector<256x128xf32>
    %eq3A_309 = arith.constant 3 : i32
    %eq3A_310 = vector.broadcast %eq3A_309 : i32 to vector<256x128xi32>
    %eq3A_311 = arith.cmpi eq, %iota3A_150, %eq3A_310 : vector<256x128xi32>
    %broadcast_in_dim3A_312 = vector.shape_cast %broadcast_in_dim3A_285 : vector<256x1xi32> to vector<256x1xi32>
    %broadcast_in_dim3A_313 = vector.broadcast %broadcast_in_dim3A_312 : vector<256x1xi32> to vector<256x128xi32>
    %select_n3A_314 = arith.select %eq3A_311, %broadcast_in_dim3A_313, %select_n3A_274 : vector<256x128xi1>, vector<256x128xi32>
    %reduce_min3A_315 = arith.constant dense<0x7F800000> : vector<256xf32>
    %reduce_min3A_316 = vector.multi_reduction <minimumf>, %select_n3A_296, %reduce_min3A_315 [1] : vector<256x256xf32> to vector<256xf32>
    %broadcast_in_dim3A_317 = vector.shape_cast %reduce_min3A_316 : vector<256xf32> to vector<256x1xf32>
    %eq3A_318 = vector.broadcast %broadcast_in_dim3A_317 : vector<256x1xf32> to vector<256x256xf32>
    %eq3A_319 = arith.cmpf oeq, %select_n3A_296, %eq3A_318 : vector<256x256xf32>
    %jit3A_320 = arith.constant 1073741824 : i32
    %broadcast_in_dim3A_321 = vector.broadcast %jit3A_320 : i32 to vector<256x256xi32>
    %select_n3A_322 = arith.select %eq3A_319, %add3A_104, %broadcast_in_dim3A_321 : vector<256x256xi1>, vector<256x256xi32>
    %reduce_min3A_323 = arith.constant dense<2147483647> : vector<256xi32>
    %reduce_min3A_324 = vector.multi_reduction <minsi>, %select_n3A_322, %reduce_min3A_323 [1] : vector<256x256xi32> to vector<256xi32>
    %broadcast_in_dim3A_325 = vector.shape_cast %reduce_min3A_324 : vector<256xi32> to vector<256x1xi32>
    %eq3A_326 = vector.broadcast %broadcast_in_dim3A_325 : vector<256x1xi32> to vector<256x256xi32>
    %eq3A_327 = arith.cmpi eq, %add3A_104, %eq3A_326 : vector<256x256xi32>
    %jit3A_328 = arith.constant 0.000000e+00 : f32
    %broadcast_in_dim3A_329 = vector.broadcast %jit3A_328 : f32 to vector<256x256xf32>
    %select_n3A_330 = arith.select %eq3A_327, %add3A_127, %broadcast_in_dim3A_329 : vector<256x256xi1>, vector<256x256xf32>
    %reduce_sum3A_331 = arith.constant dense<0.000000e+00> : vector<256xf32>
    %reduce_sum3A_332 = vector.multi_reduction <add>, %select_n3A_330, %reduce_sum3A_331 [1] : vector<256x256xf32> to vector<256xf32>
    %broadcast_in_dim3A_333 = vector.shape_cast %reduce_sum3A_332 : vector<256xf32> to vector<256x1xf32>
    %jit3A_334 = arith.constant 1.000000e+30 : f32
    %broadcast_in_dim3A_335 = vector.broadcast %jit3A_334 : f32 to vector<256x256xf32>
    %select_n3A_336 = arith.select %eq3A_327, %broadcast_in_dim3A_335, %select_n3A_296 : vector<256x256xi1>, vector<256x256xf32>
    %eq3A_337 = arith.constant 4 : i32
    %eq3A_338 = vector.broadcast %eq3A_337 : i32 to vector<256x128xi32>
    %eq3A_339 = arith.cmpi eq, %iota3A_150, %eq3A_338 : vector<256x128xi32>
    %broadcast_in_dim3A_340 = vector.shape_cast %broadcast_in_dim3A_317 : vector<256x1xf32> to vector<256x1xf32>
    %broadcast_in_dim3A_341 = vector.broadcast %broadcast_in_dim3A_340 : vector<256x1xf32> to vector<256x128xf32>
    %select_n3A_342 = arith.select %eq3A_339, %broadcast_in_dim3A_341, %select_n3A_302 : vector<256x128xi1>, vector<256x128xf32>
    %eq3A_343 = arith.constant 4 : i32
    %eq3A_344 = vector.broadcast %eq3A_343 : i32 to vector<256x128xi32>
    %eq3A_345 = arith.cmpi eq, %iota3A_150, %eq3A_344 : vector<256x128xi32>
    %broadcast_in_dim3A_346 = vector.shape_cast %broadcast_in_dim3A_333 : vector<256x1xf32> to vector<256x1xf32>
    %broadcast_in_dim3A_347 = vector.broadcast %broadcast_in_dim3A_346 : vector<256x1xf32> to vector<256x128xf32>
    %select_n3A_348 = arith.select %eq3A_345, %broadcast_in_dim3A_347, %select_n3A_308 : vector<256x128xi1>, vector<256x128xf32>
    %eq3A_349 = arith.constant 4 : i32
    %eq3A_350 = vector.broadcast %eq3A_349 : i32 to vector<256x128xi32>
    %eq3A_351 = arith.cmpi eq, %iota3A_150, %eq3A_350 : vector<256x128xi32>
    %broadcast_in_dim3A_352 = vector.shape_cast %broadcast_in_dim3A_325 : vector<256x1xi32> to vector<256x1xi32>
    %broadcast_in_dim3A_353 = vector.broadcast %broadcast_in_dim3A_352 : vector<256x1xi32> to vector<256x128xi32>
    %select_n3A_354 = arith.select %eq3A_351, %broadcast_in_dim3A_353, %select_n3A_314 : vector<256x128xi1>, vector<256x128xi32>
    %reduce_min3A_355 = arith.constant dense<0x7F800000> : vector<256xf32>
    %reduce_min3A_356 = vector.multi_reduction <minimumf>, %select_n3A_336, %reduce_min3A_355 [1] : vector<256x256xf32> to vector<256xf32>
    %broadcast_in_dim3A_357 = vector.shape_cast %reduce_min3A_356 : vector<256xf32> to vector<256x1xf32>
    %eq3A_358 = vector.broadcast %broadcast_in_dim3A_357 : vector<256x1xf32> to vector<256x256xf32>
    %eq3A_359 = arith.cmpf oeq, %select_n3A_336, %eq3A_358 : vector<256x256xf32>
    %jit3A_360 = arith.constant 1073741824 : i32
    %broadcast_in_dim3A_361 = vector.broadcast %jit3A_360 : i32 to vector<256x256xi32>
    %select_n3A_362 = arith.select %eq3A_359, %add3A_104, %broadcast_in_dim3A_361 : vector<256x256xi1>, vector<256x256xi32>
    %reduce_min3A_363 = arith.constant dense<2147483647> : vector<256xi32>
    %reduce_min3A_364 = vector.multi_reduction <minsi>, %select_n3A_362, %reduce_min3A_363 [1] : vector<256x256xi32> to vector<256xi32>
    %broadcast_in_dim3A_365 = vector.shape_cast %reduce_min3A_364 : vector<256xi32> to vector<256x1xi32>
    %eq3A_366 = vector.broadcast %broadcast_in_dim3A_365 : vector<256x1xi32> to vector<256x256xi32>
    %eq3A_367 = arith.cmpi eq, %add3A_104, %eq3A_366 : vector<256x256xi32>
    %jit3A_368 = arith.constant 0.000000e+00 : f32
    %broadcast_in_dim3A_369 = vector.broadcast %jit3A_368 : f32 to vector<256x256xf32>
    %select_n3A_370 = arith.select %eq3A_367, %add3A_127, %broadcast_in_dim3A_369 : vector<256x256xi1>, vector<256x256xf32>
    %reduce_sum3A_371 = arith.constant dense<0.000000e+00> : vector<256xf32>
    %reduce_sum3A_372 = vector.multi_reduction <add>, %select_n3A_370, %reduce_sum3A_371 [1] : vector<256x256xf32> to vector<256xf32>
    %broadcast_in_dim3A_373 = vector.shape_cast %reduce_sum3A_372 : vector<256xf32> to vector<256x1xf32>
    %jit3A_374 = arith.constant 1.000000e+30 : f32
    %broadcast_in_dim3A_375 = vector.broadcast %jit3A_374 : f32 to vector<256x256xf32>
    %select_n3A_376 = arith.select %eq3A_367, %broadcast_in_dim3A_375, %select_n3A_336 : vector<256x256xi1>, vector<256x256xf32>
    %eq3A_377 = arith.constant 5 : i32
    %eq3A_378 = vector.broadcast %eq3A_377 : i32 to vector<256x128xi32>
    %eq3A_379 = arith.cmpi eq, %iota3A_150, %eq3A_378 : vector<256x128xi32>
    %broadcast_in_dim3A_380 = vector.shape_cast %broadcast_in_dim3A_357 : vector<256x1xf32> to vector<256x1xf32>
    %broadcast_in_dim3A_381 = vector.broadcast %broadcast_in_dim3A_380 : vector<256x1xf32> to vector<256x128xf32>
    %select_n3A_382 = arith.select %eq3A_379, %broadcast_in_dim3A_381, %select_n3A_342 : vector<256x128xi1>, vector<256x128xf32>
    %eq3A_383 = arith.constant 5 : i32
    %eq3A_384 = vector.broadcast %eq3A_383 : i32 to vector<256x128xi32>
    %eq3A_385 = arith.cmpi eq, %iota3A_150, %eq3A_384 : vector<256x128xi32>
    %broadcast_in_dim3A_386 = vector.shape_cast %broadcast_in_dim3A_373 : vector<256x1xf32> to vector<256x1xf32>
    %broadcast_in_dim3A_387 = vector.broadcast %broadcast_in_dim3A_386 : vector<256x1xf32> to vector<256x128xf32>
    %select_n3A_388 = arith.select %eq3A_385, %broadcast_in_dim3A_387, %select_n3A_348 : vector<256x128xi1>, vector<256x128xf32>
    %eq3A_389 = arith.constant 5 : i32
    %eq3A_390 = vector.broadcast %eq3A_389 : i32 to vector<256x128xi32>
    %eq3A_391 = arith.cmpi eq, %iota3A_150, %eq3A_390 : vector<256x128xi32>
    %broadcast_in_dim3A_392 = vector.shape_cast %broadcast_in_dim3A_365 : vector<256x1xi32> to vector<256x1xi32>
    %broadcast_in_dim3A_393 = vector.broadcast %broadcast_in_dim3A_392 : vector<256x1xi32> to vector<256x128xi32>
    %select_n3A_394 = arith.select %eq3A_391, %broadcast_in_dim3A_393, %select_n3A_354 : vector<256x128xi1>, vector<256x128xi32>
    %reduce_min3A_395 = arith.constant dense<0x7F800000> : vector<256xf32>
    %reduce_min3A_396 = vector.multi_reduction <minimumf>, %select_n3A_376, %reduce_min3A_395 [1] : vector<256x256xf32> to vector<256xf32>
    %broadcast_in_dim3A_397 = vector.shape_cast %reduce_min3A_396 : vector<256xf32> to vector<256x1xf32>
    %eq3A_398 = vector.broadcast %broadcast_in_dim3A_397 : vector<256x1xf32> to vector<256x256xf32>
    %eq3A_399 = arith.cmpf oeq, %select_n3A_376, %eq3A_398 : vector<256x256xf32>
    %jit3A_400 = arith.constant 1073741824 : i32
    %broadcast_in_dim3A_401 = vector.broadcast %jit3A_400 : i32 to vector<256x256xi32>
    %select_n3A_402 = arith.select %eq3A_399, %add3A_104, %broadcast_in_dim3A_401 : vector<256x256xi1>, vector<256x256xi32>
    %reduce_min3A_403 = arith.constant dense<2147483647> : vector<256xi32>
    %reduce_min3A_404 = vector.multi_reduction <minsi>, %select_n3A_402, %reduce_min3A_403 [1] : vector<256x256xi32> to vector<256xi32>
    %broadcast_in_dim3A_405 = vector.shape_cast %reduce_min3A_404 : vector<256xi32> to vector<256x1xi32>
    %eq3A_406 = vector.broadcast %broadcast_in_dim3A_405 : vector<256x1xi32> to vector<256x256xi32>
    %eq3A_407 = arith.cmpi eq, %add3A_104, %eq3A_406 : vector<256x256xi32>
    %jit3A_408 = arith.constant 0.000000e+00 : f32
    %broadcast_in_dim3A_409 = vector.broadcast %jit3A_408 : f32 to vector<256x256xf32>
    %select_n3A_410 = arith.select %eq3A_407, %add3A_127, %broadcast_in_dim3A_409 : vector<256x256xi1>, vector<256x256xf32>
    %reduce_sum3A_411 = arith.constant dense<0.000000e+00> : vector<256xf32>
    %reduce_sum3A_412 = vector.multi_reduction <add>, %select_n3A_410, %reduce_sum3A_411 [1] : vector<256x256xf32> to vector<256xf32>
    %broadcast_in_dim3A_413 = vector.shape_cast %reduce_sum3A_412 : vector<256xf32> to vector<256x1xf32>
    %jit3A_414 = arith.constant 1.000000e+30 : f32
    %broadcast_in_dim3A_415 = vector.broadcast %jit3A_414 : f32 to vector<256x256xf32>
    %select_n3A_416 = arith.select %eq3A_407, %broadcast_in_dim3A_415, %select_n3A_376 : vector<256x256xi1>, vector<256x256xf32>
    %eq3A_417 = arith.constant 6 : i32
    %eq3A_418 = vector.broadcast %eq3A_417 : i32 to vector<256x128xi32>
    %eq3A_419 = arith.cmpi eq, %iota3A_150, %eq3A_418 : vector<256x128xi32>
    %broadcast_in_dim3A_420 = vector.shape_cast %broadcast_in_dim3A_397 : vector<256x1xf32> to vector<256x1xf32>
    %broadcast_in_dim3A_421 = vector.broadcast %broadcast_in_dim3A_420 : vector<256x1xf32> to vector<256x128xf32>
    %select_n3A_422 = arith.select %eq3A_419, %broadcast_in_dim3A_421, %select_n3A_382 : vector<256x128xi1>, vector<256x128xf32>
    %eq3A_423 = arith.constant 6 : i32
    %eq3A_424 = vector.broadcast %eq3A_423 : i32 to vector<256x128xi32>
    %eq3A_425 = arith.cmpi eq, %iota3A_150, %eq3A_424 : vector<256x128xi32>
    %broadcast_in_dim3A_426 = vector.shape_cast %broadcast_in_dim3A_413 : vector<256x1xf32> to vector<256x1xf32>
    %broadcast_in_dim3A_427 = vector.broadcast %broadcast_in_dim3A_426 : vector<256x1xf32> to vector<256x128xf32>
    %select_n3A_428 = arith.select %eq3A_425, %broadcast_in_dim3A_427, %select_n3A_388 : vector<256x128xi1>, vector<256x128xf32>
    %eq3A_429 = arith.constant 6 : i32
    %eq3A_430 = vector.broadcast %eq3A_429 : i32 to vector<256x128xi32>
    %eq3A_431 = arith.cmpi eq, %iota3A_150, %eq3A_430 : vector<256x128xi32>
    %broadcast_in_dim3A_432 = vector.shape_cast %broadcast_in_dim3A_405 : vector<256x1xi32> to vector<256x1xi32>
    %broadcast_in_dim3A_433 = vector.broadcast %broadcast_in_dim3A_432 : vector<256x1xi32> to vector<256x128xi32>
    %select_n3A_434 = arith.select %eq3A_431, %broadcast_in_dim3A_433, %select_n3A_394 : vector<256x128xi1>, vector<256x128xi32>
    %reduce_min3A_435 = arith.constant dense<0x7F800000> : vector<256xf32>
    %reduce_min3A_436 = vector.multi_reduction <minimumf>, %select_n3A_416, %reduce_min3A_435 [1] : vector<256x256xf32> to vector<256xf32>
    %broadcast_in_dim3A_437 = vector.shape_cast %reduce_min3A_436 : vector<256xf32> to vector<256x1xf32>
    %eq3A_438 = vector.broadcast %broadcast_in_dim3A_437 : vector<256x1xf32> to vector<256x256xf32>
    %eq3A_439 = arith.cmpf oeq, %select_n3A_416, %eq3A_438 : vector<256x256xf32>
    %jit3A_440 = arith.constant 1073741824 : i32
    %broadcast_in_dim3A_441 = vector.broadcast %jit3A_440 : i32 to vector<256x256xi32>
    %select_n3A_442 = arith.select %eq3A_439, %add3A_104, %broadcast_in_dim3A_441 : vector<256x256xi1>, vector<256x256xi32>
    %reduce_min3A_443 = arith.constant dense<2147483647> : vector<256xi32>
    %reduce_min3A_444 = vector.multi_reduction <minsi>, %select_n3A_442, %reduce_min3A_443 [1] : vector<256x256xi32> to vector<256xi32>
    %broadcast_in_dim3A_445 = vector.shape_cast %reduce_min3A_444 : vector<256xi32> to vector<256x1xi32>
    %eq3A_446 = vector.broadcast %broadcast_in_dim3A_445 : vector<256x1xi32> to vector<256x256xi32>
    %eq3A_447 = arith.cmpi eq, %add3A_104, %eq3A_446 : vector<256x256xi32>
    %jit3A_448 = arith.constant 0.000000e+00 : f32
    %broadcast_in_dim3A_449 = vector.broadcast %jit3A_448 : f32 to vector<256x256xf32>
    %select_n3A_450 = arith.select %eq3A_447, %add3A_127, %broadcast_in_dim3A_449 : vector<256x256xi1>, vector<256x256xf32>
    %reduce_sum3A_451 = arith.constant dense<0.000000e+00> : vector<256xf32>
    %reduce_sum3A_452 = vector.multi_reduction <add>, %select_n3A_450, %reduce_sum3A_451 [1] : vector<256x256xf32> to vector<256xf32>
    %broadcast_in_dim3A_453 = vector.shape_cast %reduce_sum3A_452 : vector<256xf32> to vector<256x1xf32>
    %eq3A_454 = arith.constant 7 : i32
    %eq3A_455 = vector.broadcast %eq3A_454 : i32 to vector<256x128xi32>
    %eq3A_456 = arith.cmpi eq, %iota3A_150, %eq3A_455 : vector<256x128xi32>
    %broadcast_in_dim3A_457 = vector.shape_cast %broadcast_in_dim3A_437 : vector<256x1xf32> to vector<256x1xf32>
    %broadcast_in_dim3A_458 = vector.broadcast %broadcast_in_dim3A_457 : vector<256x1xf32> to vector<256x128xf32>
    %select_n3A_459 = arith.select %eq3A_456, %broadcast_in_dim3A_458, %select_n3A_422 : vector<256x128xi1>, vector<256x128xf32>
    %eq3A_460 = arith.constant 7 : i32
    %eq3A_461 = vector.broadcast %eq3A_460 : i32 to vector<256x128xi32>
    %eq3A_462 = arith.cmpi eq, %iota3A_150, %eq3A_461 : vector<256x128xi32>
    %broadcast_in_dim3A_463 = vector.shape_cast %broadcast_in_dim3A_453 : vector<256x1xf32> to vector<256x1xf32>
    %broadcast_in_dim3A_464 = vector.broadcast %broadcast_in_dim3A_463 : vector<256x1xf32> to vector<256x128xf32>
    %select_n3A_465 = arith.select %eq3A_462, %broadcast_in_dim3A_464, %select_n3A_428 : vector<256x128xi1>, vector<256x128xf32>
    %eq3A_466 = arith.constant 7 : i32
    %eq3A_467 = vector.broadcast %eq3A_466 : i32 to vector<256x128xi32>
    %eq3A_468 = arith.cmpi eq, %iota3A_150, %eq3A_467 : vector<256x128xi32>
    %broadcast_in_dim3A_469 = vector.shape_cast %broadcast_in_dim3A_445 : vector<256x1xi32> to vector<256x1xi32>
    %broadcast_in_dim3A_470 = vector.broadcast %broadcast_in_dim3A_469 : vector<256x1xi32> to vector<256x128xi32>
    %select_n3A_471 = arith.select %eq3A_468, %broadcast_in_dim3A_470, %select_n3A_434 : vector<256x128xi1>, vector<256x128xi32>
    %slice3A = vector.extract_strided_slice %select_n3A_459 {offsets = [0, 0], sizes = [256, 8], strides = [1, 1]} : vector<256x128xf32> to vector<256x8xf32>
    %swap3A = arith.constant 0 : index
    %swap3A_472 = arith.constant 0 : index
    %swap3A_473 = vector.load %arg7[%swap3A, %swap3A_472] : memref<256x8xf32, #tpu.memory_space<vmem>>, vector<256x8xf32>
    tpu.vector_store %arg7[%swap3A, %swap3A_472], %slice3A {strides = array<i32>} : memref<256x8xf32, #tpu.memory_space<vmem>>, vector<256x8xf32>,
    %slice3A_474 = vector.extract_strided_slice %select_n3A_465 {offsets = [0, 0], sizes = [256, 8], strides = [1, 1]} : vector<256x128xf32> to vector<256x8xf32>
    %swap3A_475 = arith.constant 0 : index
    %swap3A_476 = arith.constant 0 : index
    %swap3A_477 = vector.load %arg8[%swap3A_475, %swap3A_476] : memref<256x8xf32, #tpu.memory_space<vmem>>, vector<256x8xf32>
    tpu.vector_store %arg8[%swap3A_475, %swap3A_476], %slice3A_474 {strides = array<i32>} : memref<256x8xf32, #tpu.memory_space<vmem>>, vector<256x8xf32>,
    %slice3A_478 = vector.extract_strided_slice %select_n3A_471 {offsets = [0, 0], sizes = [256, 8], strides = [1, 1]} : vector<256x128xi32> to vector<256x8xi32>
    %swap3A_479 = arith.constant 0 : index
    %swap3A_480 = arith.constant 0 : index
    %swap3A_481 = vector.load %arg9[%swap3A_479, %swap3A_480] : memref<256x8xi32, #tpu.memory_space<vmem>>, vector<256x8xi32>
    tpu.vector_store %arg9[%swap3A_479, %swap3A_480], %slice3A_478 {strides = array<i32>} : memref<256x8xi32, #tpu.memory_space<vmem>>, vector<256x8xi32>,
    return
  }
  func.func @transform_0(%arg0: i32) -> (i32, i32) {
    %c0_i32 = arith.constant 0 : i32
    %c0_i32_0 = arith.constant 0 : i32
    return %arg0, %c0_i32 : i32, i32
  }
  func.func @transform_1(%arg0: i32) -> (i32, i32) {
    %c0_i32 = arith.constant 0 : i32
    %c0_i32_0 = arith.constant 0 : i32
    return %arg0, %c0_i32 : i32, i32
  }
  func.func @transform_2(%arg0: i32) -> (i32, i32) {
    %c0_i32 = arith.constant 0 : i32
    %c0_i32_0 = arith.constant 0 : i32
    return %arg0, %c0_i32 : i32, i32
  }
  func.func @transform_3(%arg0: i32) -> (i32, i32) {
    %c0_i32 = arith.constant 0 : i32
    %c0_i32_0 = arith.constant 0 : i32
    return %arg0, %c0_i32 : i32, i32
  }
  func.func @transform_4(%arg0: i32) -> (i32, i32) {
    %c0_i32 = arith.constant 0 : i32
    %c0_i32_0 = arith.constant 0 : i32
    return %arg0, %c0_i32 : i32, i32
  }
  func.func @transform_5(%arg0: i32) -> (i32, i32) {
    %c0_i32 = arith.constant 0 : i32
    %c0_i32_0 = arith.constant 0 : i32
    return %arg0, %c0_i32 : i32, i32
  }
  func.func @transform_6(%arg0: i32) -> (i32, i32) {
    %c0_i32 = arith.constant 0 : i32
    %c0_i32_0 = arith.constant 0 : i32
    return %arg0, %c0_i32 : i32, i32
  }
  func.func @transform_7(%arg0: i32) -> (i32, i32) {
    %c0_i32 = arith.constant 0 : i32
    %c0_i32_0 = arith.constant 0 : i32
    return %arg0, %c0_i32 : i32, i32
  }
  func.func @transform_8(%arg0: i32) -> (i32, i32) {
    %c0_i32 = arith.constant 0 : i32
    %c0_i32_0 = arith.constant 0 : i32
    return %arg0, %c0_i32 : i32, i32
  }
}

</mosaic_0001>

<sc_bundles>
// kernel: kernel.5.cloned.1.call-start
scs
__scs_entry_jumppad:
0x0: {  	(pc) =	sbr.rel $0x88, $3  }
0x1: {  	(tag) =	ssettag $0x0;
	lr =	simm.s32 $0x1  }
0x2: {  	[smem:$0x3F9E] =	sst lr;
	_ =	strace $0xD0000000  }
0x3: {  	_ = 	snop  }
0x4: {  	_ = 	snop  }
0x5: {  	_ = 	snop  }
0x6: {  	_ = 	snop  }
0x7: {  	_ = 	snop  }
__scs_overlays_trampoline_lowered:
0x8: {  	[smem:$0x3FAD] =	sst s0  }
0x9: {  	[smem:$0x3FAE] =	sst s1  }
0xa: {  	[smem:$0x3FAF] =	sst s2  }
0xb: {  	[smem:$0x3FB0] =	sst s3  }
0xc: {  	[smem:$0x3FB1] =	sst s4  }
0xd: {  	[smem:$0x3FB2] =	sst s5  }
0xe: {  	[smem:$0x3FB3] =	sst s6  }
0xf: {  	[smem:$0x3FB4] =	sst s7  }
0x10: {  	[smem:$0x3FB5] =	sst s8  }
0x11: {  	[smem:$0x3FB6] =	sst s9;
	s0 =	simm.s32 @!p0 $0x0  }
0x12: {  	s1 =	sld [smem:$0x3F9C];
	s0 =	simm.s32 @p0 $0x1  }
0x13: {  	[smem:$0x3FB7] =	sst s0;
	s0 =	simm.s32 @!p1 $0x0  }
0x14: {  	s2 =	sld [smem:$0x3F9B];
	s0 =	simm.s32 @p1 $0x1  }
0x15: {  	[smem:$0x3FB8] =	sst s0;
	s0 =	simm.s32 @!p2 $0x0  }
0x16: {  	s3 =	sld [smem:$0x3FDB];
	s0 =	simm.s32 @p2 $0x1  }
0x17: {  	s4 =	simm.s32 $0x1BF5;
	[smem:$0x3FBA] =	sst s0  }
0x18: {  	s0 =	sld [smem:$0x3F9D];
	_ =	swait.ge [sflag:s4], $0x0  }
0x19: {  	s7 =	sld [smem:$0x3F9E]  }
0x1a: {  	s8 =	sadd.s32 $0xFFFFE003, lr  }
0x1b: {  	s9 =	sadd.s32 $0xFFFFFEF7, lr;
	s5 =	simm.s32 $0xFFFFFFFF;
	p2 =	slt.u32 s8, $0xFFFFF086  }
0x1c: {  	p1 =	slt.u32 s9, $0xF7A;
	s5 =	simm.s32 @!p2 $0x0  }
0x1d: {  	s5 =	simm.s32 @p1 $0x1;
	p0 =	seq.s32 s7, s2  }
0x1e: {  	s7 =	smul.u32 @!p0 $0xF7A, s2;
	p2 =	seq.s32 @!p0 s5, $0x0  }
0x1f: {  	s9 =	smul.u32 $0xF7A, s1;
	s8 =	simm.s32 @!p0 $0x1BF5;
	p2 =	por !p2, p0  }
0x20: {  	[sflag:s8] =	ssyncset.s32 @!p0 $0xFFFFF086;
	s6 =	sadd.s32 @!p0 s3, s7;
	s7 =	simm.s32 @!p0 $0x108  }
0x21: {  	s3 =	sadd.s32 s3, s9;
	s6 =	sadd.s32 @!p0 $0x88, s6;
	s7 =	simm.s32 @p2 $0x1082  }
0x22: {  	[simem:s7], [sflag:s8] =	dma.local @!p0 [hbm:s6], $0xF7A  }
0x23: {  	s9 =	sor.u32 $0xD0000000, s2;
	s6 =	simm.s32 $0x108;
	_ =	swait.ge @!p0 [sflag:s8], $0x0  }
0x24: {  	s3 =	sadd.s32 $0x88, s3;
	s6 =	simm.s32 @!p1 $0x1082;
	[sflag:s4] =	ssyncset.s32 $0xFFFFF086  }
0x25: {  	[simem:s6], [sflag:s4] =	dma.local [hbm:s3], $0xF7A  }
0x26: {  	[smem:$0x3F9E] =	sst s1;
	(tag) =	ssettag s2;
	_ =	strace s9  }
0x27: {  	s1 =	sld [smem:$0x3FAE]  }
0x28: {  	s2 =	sld [smem:$0x3FAF]  }
0x29: {  	s4 =	sld [smem:$0x3FB1]  }
0x2a: {  	p0 =	seq.s32 s5, $0x0;
	s5 =	sld [smem:$0x3FB2]  }
0x2b: {  	s6 =	sld [smem:$0x3FB3]  }
0x2c: {  	s7 =	sld [smem:$0x3FB4]  }
0x2d: {  	s3 =	simm.s32 $0x108;
	s8 =	sld [smem:$0x3FB5]  }
0x2e: {  	s3 =	simm.s32 @!p0 $0x1082;
	s9 =	sld [smem:$0x3FB6]  }
0x2f: {  	lr =	sadd.s32 s0, s3;
	s0 =	sld [smem:$0x3FAD]  }
0x30: {  	s3 =	sld [smem:$0x3FB0]  }
0x31: {  	[smem:$0x3FB9] =	sst s10  }
0x32: {  	s10 =	sld [smem:$0x3FB7];
	_ =	sdelay $0x3  }
0x33: {  	p0 =	seq.s32 s10, $0x1;
	s10 =	sld [smem:$0x3FB9];
	_ =	sdelay $0x3  }
0x34: {  	[smem:$0x3FB9] =	sst s10  }
0x35: {  	s10 =	sld [smem:$0x3FB8];
	_ =	sdelay $0x3  }
0x36: {  	p1 =	seq.s32 s10, $0x1;
	s10 =	sld [smem:$0x3FB9];
	_ =	sdelay $0x3  }
0x37: {  	[smem:$0x3FB9] =	sst s10  }
0x38: {  	s10 =	sld [smem:$0x3FBA]  }
0x39: {  	_ = 	snop;
	(pc) =	sbr.ind lr, $3  }
0x3a: {  	_ = 	snop  }
0x3b: {  	_ = 	snop  }
0x3c: {  	p2 =	seq.s32 s10, $0x1;
	s10 =	sld [smem:$0x3FB9]  }
0x3d: {  	_ =	shalt  }
0x3e: {  	_ =	shalt  }
0x3f: {  	_ =	shalt  }
0x40: {  	_ =	shalt  }
0x41: {  	_ =	shalt  }
0x42: {  	_ =	shalt  }
0x43: {  	_ =	shalt  }
0x44: {  	_ =	shalt  }
0x45: {  	_ =	shalt  }
0x46: {  	_ =	shalt  }
0x47: {  	_ =	shalt  }
0x48: {  	_ =	shalt  }
0x49: {  	_ =	shalt  }
0x4a: {  	_ =	shalt  }
0x4b: {  	_ =	shalt  }
0x4c: {  	_ =	shalt  }
0x4d: {  	_ =	shalt  }
0x4e: {  	_ =	shalt  }
0x4f: {  	_ =	shalt  }
0x50: {  	_ =	shalt  }
0x51: {  	_ =	shalt  }
0x52: {  	_ =	shalt  }
0x53: {  	_ =	shalt  }
0x54: {  	_ =	shalt  }
0x55: {  	_ =	shalt  }
0x56: {  	_ =	shalt  }
0x57: {  	_ =	shalt  }
0x58: {  	_ =	shalt  }
0x59: {  	_ =	shalt  }
0x5a: {  	_ =	shalt  }
0x5b: {  	_ =	shalt  }
0x5c: {  	_ =	shalt  }
0x5d: {  	_ =	shalt  }
0x5e: {  	_ =	shalt  }
0x5f: {  	_ =	shalt  }
0x60: {  	_ =	shalt  }
0x61: {  	_ =	shalt  }
0x62: {  	_ =	shalt  }
0x63: {  	_ =	shalt  }
0x64: {  	_ =	shalt  }
0x65: {  	_ =	shalt  }
0x66: {  	_ =	shalt  }
0x67: {  	_ =	shalt  }
0x68: {  	_ =	shalt  }
0x69: {  	_ =	shalt  }
0x6a: {  	_ =	shalt  }
0x6b: {  	_ =	shalt  }
0x6c: {  	_ =	shalt  }
0x6d: {  	_ =	shalt  }
0x6e: {  	_ =	shalt  }
0x6f: {  	_ =	shalt  }
0x70: {  	_ =	shalt  }
0x71: {  	_ =	shalt  }
0x72: {  	_ =	shalt  }
0x73: {  	_ =	shalt  }
0x74: {  	_ =	shalt  }
0x75: {  	_ =	shalt  }
0x76: {  	_ =	shalt  }
0x77: {  	_ =	shalt  }
0x78: {  	_ =	shalt  }
0x79: {  	_ =	shalt  }
0x7a: {  	_ =	shalt  }
0x7b: {  	_ =	shalt  }
0x7c: {  	_ =	shalt  }
0x7d: {  	_ =	shalt  }
0x7e: {  	_ =	shalt  }
0x7f: {  	_ =	shalt  }
0x80: {  	_ =	shalt  }
0x81: {  	_ =	shalt  }
0x82: {  	_ =	shalt  }
0x83: {  	_ =	shalt  }
0x84: {  	_ =	shalt  }
0x85: {  	_ =	shalt  }
0x86: {  	_ =	shalt  }
0x87: {  	_ =	shalt  }
.Lfunc_end0:
.L_simem_size_0:
called_computation_lowered:
.L_overlay_start_0:
0x88: {  	s2 =	sld [smem:$0x3FD9]  }
0x89: {  	s3 =	sld [smem:$0x3FFE];
	_ =	sdelay $0x1  }
0x8a: {  	s1 =	srdreg.scid  }
0x8b: {  	s0 =	sand.u32 $0x1, s1  }
0x8c: {  	s16 =	sshll.u32 s0, $0xA;
	s2 =	sadd.s32 s3, s2  }
0x8d: {  	s2 =	sadd.s32 s2, s16  }
0x8e: {  	[smem:$0x3FC5] =	sst s2  }
0x8f: {  	_ = 	snop  }
0x90: {  	(tm) =	ssettm $0x1  }
0x91: {  	s17 =	sld [smem:$0x3FFB];
	_ =	sdelay $0x3  }
0x92: {  	_ =	strace s17  }
0x93: {  	s2 =	sld [smem:$0x3FFC];
	_ =	sdelay $0x3  }
0x94: {  	_ =	strace s2  }
0x95: {  	s2 =	sld [smem:$0x3FFD];
	_ =	sdelay $0x3  }
0x96: {  	_ =	strace s2  }
0x97: {  	_ =	strace $0x8FFFFFFF  }
0x98: {  	s18 =	sld [smem:$0x3FDB];
	_ =	sdelay $0x1  }
0x99: {  	s19 =	simm.s32 $_scs_section_size  }
0x9a: {  	s4 =	simm.s32 $_size__tile_overlayer_lowered;
	s5 =	simm.s32 $_tile_overlayer_lowered  }
0x9b: {  	s22 =	simm.s32 $0x1BFF;
	s21 =	sshll.u32 s5, $0x1;
	s2 =	sadd.s32 s19, s18  }
0x9c: {  	s6 =	simm.s32 $0x0;
	s20 =	sshll.u32 s4, $0x1;
	s4 =	sadd.s32 s21, s2  }
0x9d: {  	[timem:s6], [sflag:s22] =	dma.local [hbm:s4], s20  }
0x9e: {  	_ =	swait.ge [sflag:s22], s20  }
0x9f: {  	s3 =	ssub.s32 $0x0, s20;
	[sflag:s22] =	ssyncset.done $0x0  }
0xa0: {  	[sflag:s22] =	ssyncadd.s32 s3;
	_ =	sdelay $0x1  }
0xa1: {  	s23 =	simm.s32 $0x1B8B  }
0xa2: {  	_ =	swait.ge [sflag:s23], $0x1  }
0xa3: {  	[sflag:s23] =	ssyncset.done $0x0  }
0xa4: {  	s25 =	simm.s32 $0x1B8E;
	s24 =	sld [smem:$0x3FFE];
	[sflag:s23] =	ssyncadd.s32 $0xFFFFFFFF  }
0xa5: {  	s26 =	simm.s32 $execute0_lowered;
	[smem:$0x3FD2] =	sst s25  }
0xa6: {  	s4 =	sshll.u32 s26, $0x1;
	_ =	strace $0x80000046;
	[dreg:$0x1] =	wrdreg $0xFFFFFFFF  }
0xa7: {  	s28 =	simm.s32 $_size_execute0_lowered;
	s2 =	sadd.s32 s2, s4;
	[dreg:$0x0] =	wrdreg $0x0  }
0xa8: {  	s4 =	sshll.u32 s28, $0x1;
	[dreg:$0x2] =	wrdreg s2  }
0xa9: {  	[dreg:$0x3] =	wrdreg s4  }
0xaa: {  	[dreg:$0x4] =	wrdreg $0xC0  }
0xab: {  	_ =	task [dreg:s6], $0x5FFFF  }
0xac: {  	[dreg:$0x1] =	wrdreg $0xFFFFFFFF  }
0xad: {  	[dreg:$0x0] =	wrdreg $0x60  }
0xae: {  	[dreg:$0x2] =	wrdreg s24  }
0xaf: {  	[dreg:$0x3] =	wrdreg $0x9  }
0xb0: {  	_ =	task.clear_ibuf [dreg:s6], $0x4FFFF;
	_ =	strace $0x90000046  }
0xb1: {  	s29 =	simm.s32 $0x9;
	_ =	strace $0x80000048  }
0xb2: {  	_ =	swait.ge [sflag:s29], $0x1  }
0xb3: {  	[sflag:s29] =	ssyncadd.s32 $0xFFFFFFFF  }
0xb4: {  	_ =	strace $0x90000048  }
0xb5: {  	_ =	sfence  }
0xb6: {  	s30 =	sld [smem:$0x0];
	_ =	sdelay $0x2  }
0xb7: {  	s31 =	sshll.u32 s1, $0xD;
	s1 =	sshrl.u32 s1, $0x2  }
0xb8: {  	s3 =	sand.u32 $0x4000, s31;
	s1 =	sadd.s32 s1, s30  }
0xb9: {  	s0 =	sor.u32 s3, s0;
	s1 =	sshll.u32 s1, $0x11  }
0xba: {  	s0 =	sor.u32 s1, s0  }
0xbb: {  	s0 =	sadd.s32 $0x8F2B, s0  }
0xbc: {  	[sflag:s0] =	ssyncadd.remote.s32 $0x1  }
0xbd: {  	_ =	sfence.sel $0xFFFF  }
0xbe: {  	[dreg:$0x0] =	wrdreg $0xFFFFFFFF;
	(pc) =	sbr.abs _section_cstart, $3  }
0xbf: {  	[dreg:$0x1] =	wrdreg $0xFFFFFFFF  }
0xc0: {  	_ =	task.clear_ibuf [dreg:s6], $0x2FFFF;
	_ =	strace $0x9FFFFFFF  }
0xc1: {  	(tm) =	ssettm $0x7FFFFFFF  }
tec
execute0_lowered:
.L_overlay_start_1:
0x0: {  	(tag) =	ssettag $0x1  }
0x1: {  	s1 =	srdreg.scid;
	s0 =	stileid.u32  }
0x2: {  	s19 =	sand.u32 $0x1, s1;
	s30 =	sshll.u32 s0, $0x1  }
0x3: {  	s14 =	rddreg [dreg:$0x0];
	s15 =	sor.u32 s19, s30  }
0x4: {  	s2 =	simm.s32 $0x0;
	s1 =	rddreg [dreg:$0x1];
	s3 =	sshll.u32 s15, $0x7  }
0x5: {  	[smem:$0x7FF] =	sst s2;
	s3 =	sadd.s32 s3, s14  }
0x6: {  	_ =	strace $0x80000047;
	s4 =	sadd.s32 $0xA00, s3;
	s3 =	simm.s32 $0x2  }
0x7: {  	[tilespmem:s2], [sflag:$0x2] =	stream.linear.gather [hbm4b:s4+s2], $0x400, $0x38;
	[tilespmem:$0x10400] =	vst v63  }
0x8: {  	_ =	swait.ge [sflag:s3], $0x400  }
0x9: {  	s6 =	simm.s32 $0x80;
	[sflag:s3] =	ssyncset.done $0x0  }
0xa: {  	s7 =	simm.s32 $0x400;
	s5 =	sadd.s32 $0x1A00, s14;
	[sflag:s3] =	ssyncadd.s32 $0xFFFFFC00  }
0xb: {  	[tilespmem:s7], [sflag:$0x1] =	stream.indirect.gather [hbm4b:s5+s6], $0x80, s2, s6, $0xb8;
	[tilespmem:$0x10400] =	vst v63  }
0xc: {  	s8 =	simm.s32 $0x4400  }
0xd: {  	[tilespmem:s8], [sflag:$0x1] =	stream.indirect.gather [hbm4b:s5+s6], $0x80, s6, s6, $0xb8;
	[tilespmem:$0x10400] =	vst v63  }
0xe: {  	s9 =	simm.s32 $0x100;
	s10 =	simm.s32 $0x8400  }
0xf: {  	[tilespmem:s10], [sflag:$0x1] =	stream.indirect.gather [hbm4b:s5+s6], $0x80, s9, s6, $0xb8;
	[tilespmem:$0x10400] =	vst v63  }
0x10: {  	s11 =	simm.s32 $0x180;
	s12 =	simm.s32 $0xC400;
	s13 =	simm.s32 $0x1  }
0x11: {  	[tilespmem:s12], [sflag:$0x1] =	stream.indirect.gather [hbm4b:s5+s6], $0x80, s11, s6, $0xb8;
	[tilespmem:$0x10400] =	vst v63  }
0x12: {  	_ =	swait.ge [sflag:s13], $0x4000  }
0x13: {  	[sflag:s13] =	ssyncset.done $0x0  }
0x14: {  	[sflag:s13] =	ssyncadd.s32 $0xFFFFC000  }
0x15: {  	_ =	swait.ge [sflag:s13], $0x4000  }
0x16: {  	[sflag:s13] =	ssyncset.done $0x0  }
0x17: {  	[sflag:s13] =	ssyncadd.s32 $0xFFFFC000  }
0x18: {  	_ =	swait.ge [sflag:s13], $0x4000  }
0x19: {  	[sflag:s13] =	ssyncset.done $0x0  }
0x1a: {  	[sflag:s13] =	ssyncadd.s32 $0xFFFFC000  }
0x1b: {  	s15 =	sshll.u32 s15, $0xE;
	_ =	swait.ge [sflag:s13], $0x4000  }
0x1c: {  	s20 =	sadd.s32 s15, s14;
	[sflag:s13] =	ssyncset.done $0x0  }
0x1d: {  	s14 =	sadd.s32 $0xE200, s20;
	[sflag:s13] =	ssyncadd.s32 $0xFFFFC000  }
0x1e: {  	[hbm4b:s14+s2] =	stream.linear.scatter [tilespmem:s7], [sflag:$0x2], $0x10000, $0x38;
	[tilespmem:$0x10400] =	vst v63  }
0x1f: {  	_ =	swait.ge [sflag:s3], $0x10000  }
0x20: {  	[sflag:s3] =	ssyncset.done $0x0  }
0x21: {  	s15 =	simm.s32 $0x200;
	[sflag:s3] =	ssyncadd.s32 $0xFFFF0000  }
0x22: {  	[tilespmem:s7], [sflag:$0x1] =	stream.indirect.gather [hbm4b:s5+s6], $0x80, s15, s6, $0xb8;
	[tilespmem:$0x10400] =	vst v63  }
0x23: {  	s16 =	simm.s32 $0x280  }
0x24: {  	[tilespmem:s8], [sflag:$0x1] =	stream.indirect.gather [hbm4b:s5+s6], $0x80, s16, s6, $0xb8;
	[tilespmem:$0x10400] =	vst v63  }
0x25: {  	s17 =	simm.s32 $0x300  }
0x26: {  	[tilespmem:s10], [sflag:$0x1] =	stream.indirect.gather [hbm4b:s5+s6], $0x80, s17, s6, $0xb8;
	[tilespmem:$0x10400] =	vst v63  }
0x27: {  	s18 =	simm.s32 $0x380  }
0x28: {  	[tilespmem:s12], [sflag:$0x1] =	stream.indirect.gather [hbm4b:s5+s6], $0x80, s18, s6, $0xb8;
	[tilespmem:$0x10400] =	vst v63  }
0x29: {  	_ =	swait.ge [sflag:s13], $0x4000  }
0x2a: {  	[sflag:s13] =	ssyncset.done $0x0  }
0x2b: {  	[sflag:s13] =	ssyncadd.s32 $0xFFFFC000  }
0x2c: {  	_ =	swait.ge [sflag:s13], $0x4000  }
0x2d: {  	[sflag:s13] =	ssyncset.done $0x0  }
0x2e: {  	s19 =	ssub.s32 $0x2, s19;
	[sflag:s13] =	ssyncadd.s32 $0xFFFFC000  }
0x2f: {  	s21 =	sshrl.u32 s19, $0x1;
	_ =	swait.ge [sflag:s13], $0x4000  }
0x30: {  	s21 =	ssub.s32 s19, s21;
	[sflag:s13] =	ssyncset.done $0x0  }
0x31: {  	s31 =	smax.u32 s21, $0x1;
	[sflag:s13] =	ssyncadd.s32 $0xFFFFC000  }
0x32: {  	p0 =	sne.s32 s31, $0x1;
	_ =	swait.ge [sflag:s13], $0x4000  }
.Ltmp0:
0x33: {  	[sflag:s13] =	ssyncset.done $0x0;
	(pc) =	sbr.rel @!p0 .LBB2_2-.Ltmp0, $4  }
0x34: {  	s19 =	sadd.s32 $0x10200, s20;
	[sflag:s13] =	ssyncadd.s32 $0xFFFFC000  }
0x35: {  	[hbm4b:s19+s2] =	stream.linear.scatter [tilespmem:s7], [sflag:$0x2], $0x10000, $0x38;
	[tilespmem:$0x10400] =	vst v63  }
0x36: {  	_ =	swait.ge [sflag:s3], $0x10000  }
0x37: {  	s20 =	sadd.s32 $0xFFFFFFFF, s31;
	[sflag:s3] =	ssyncset.done $0x0  }
.LBB2_1:
0x38: {  	p0 =	sne.s32 s20, $0x1;
	s20 =	sadd.s32 $0xFFFFFFFF, s20;
	[sflag:s3] =	ssyncadd.s32 $0xFFFF0000  }
0x39: {  	[tilespmem:s2], [sflag:$0x2] =	stream.linear.gather [hbm4b:s4+s2], $0x400, $0x38;
	[tilespmem:$0x10400] =	vst v63  }
0x3a: {  	_ =	swait.ge [sflag:s3], $0x400  }
0x3b: {  	[sflag:s3] =	ssyncset.done $0x0  }
0x3c: {  	[sflag:s3] =	ssyncadd.s32 $0xFFFFFC00  }
0x3d: {  	[tilespmem:s7], [sflag:$0x1] =	stream.indirect.gather [hbm4b:s5+s6], $0x80, s2, s6, $0xb8;
	[tilespmem:$0x10400] =	vst v63  }
0x3e: {  	_ = 	snop  }
0x3f: {  	[tilespmem:s8], [sflag:$0x1] =	stream.indirect.gather [hbm4b:s5+s6], $0x80, s6, s6, $0xb8;
	[tilespmem:$0x10400] =	vst v63  }
0x40: {  	_ = 	snop  }
0x41: {  	[tilespmem:s10], [sflag:$0x1] =	stream.indirect.gather [hbm4b:s5+s6], $0x80, s9, s6, $0xb8;
	[tilespmem:$0x10400] =	vst v63  }
0x42: {  	_ = 	snop  }
0x43: {  	[tilespmem:s12], [sflag:$0x1] =	stream.indirect.gather [hbm4b:s5+s6], $0x80, s11, s6, $0xb8;
	[tilespmem:$0x10400] =	vst v63  }
0x44: {  	_ =	swait.ge [sflag:s13], $0x4000  }
0x45: {  	[sflag:s13] =	ssyncset.done $0x0  }
0x46: {  	[sflag:s13] =	ssyncadd.s32 $0xFFFFC000  }
0x47: {  	_ =	swait.ge [sflag:s13], $0x4000  }
0x48: {  	[sflag:s13] =	ssyncset.done $0x0  }
0x49: {  	[sflag:s13] =	ssyncadd.s32 $0xFFFFC000  }
0x4a: {  	_ =	swait.ge [sflag:s13], $0x4000  }
0x4b: {  	[sflag:s13] =	ssyncset.done $0x0  }
0x4c: {  	[sflag:s13] =	ssyncadd.s32 $0xFFFFC000  }
0x4d: {  	_ =	swait.ge [sflag:s13], $0x4000  }
0x4e: {  	[sflag:s13] =	ssyncset.done $0x0  }
0x4f: {  	[sflag:s13] =	ssyncadd.s32 $0xFFFFC000  }
0x50: {  	[hbm4b:s14+s2] =	stream.linear.scatter [tilespmem:s7], [sflag:$0x2], $0x10000, $0x38;
	[tilespmem:$0x10400] =	vst v63  }
0x51: {  	_ =	swait.ge [sflag:s3], $0x10000  }
0x52: {  	[sflag:s3] =	ssyncset.done $0x0  }
0x53: {  	[sflag:s3] =	ssyncadd.s32 $0xFFFF0000  }
0x54: {  	[tilespmem:s7], [sflag:$0x1] =	stream.indirect.gather [hbm4b:s5+s6], $0x80, s15, s6, $0xb8;
	[tilespmem:$0x10400] =	vst v63  }
0x55: {  	_ = 	snop  }
0x56: {  	[tilespmem:s8], [sflag:$0x1] =	stream.indirect.gather [hbm4b:s5+s6], $0x80, s16, s6, $0xb8;
	[tilespmem:$0x10400] =	vst v63  }
0x57: {  	_ = 	snop  }
0x58: {  	[tilespmem:s10], [sflag:$0x1] =	stream.indirect.gather [hbm4b:s5+s6], $0x80, s17, s6, $0xb8;
	[tilespmem:$0x10400] =	vst v63  }
0x59: {  	_ = 	snop  }
0x5a: {  	[tilespmem:s12], [sflag:$0x1] =	stream.indirect.gather [hbm4b:s5+s6], $0x80, s18, s6, $0xb8;
	[tilespmem:$0x10400] =	vst v63  }
0x5b: {  	_ =	swait.ge [sflag:s13], $0x4000  }
0x5c: {  	[sflag:s13] =	ssyncset.done $0x0  }
0x5d: {  	[sflag:s13] =	ssyncadd.s32 $0xFFFFC000  }
0x5e: {  	_ =	swait.ge [sflag:s13], $0x4000  }
0x5f: {  	[sflag:s13] =	ssyncset.done $0x0  }
0x60: {  	[sflag:s13] =	ssyncadd.s32 $0xFFFFC000  }
0x61: {  	_ =	swait.ge [sflag:s13], $0x4000  }
0x62: {  	[sflag:s13] =	ssyncset.done $0x0  }
0x63: {  	[sflag:s13] =	ssyncadd.s32 $0xFFFFC000  }
0x64: {  	_ =	swait.ge [sflag:s13], $0x4000  }
.Ltmp1:
0x65: {  	[sflag:s13] =	ssyncset.done $0x0;
	(pc) =	sbr.rel @p0 .LBB2_1-.Ltmp1, $4  }
0x66: {  	[sflag:s13] =	ssyncadd.s32 $0xFFFFC000  }
0x67: {  	[hbm4b:s19+s2] =	stream.linear.scatter [tilespmem:s7], [sflag:$0x2], $0x10000, $0x38;
	[tilespmem:$0x10400] =	vst v63  }
0x68: {  	_ =	swait.ge [sflag:s3], $0x10000  }
0x69: {  	[sflag:s3] =	ssyncset.done $0x0  }
.LBB2_2:
0x6a: {  	[sflag:s3] =	ssyncadd.s32 $0xFFFF0000  }
0x6b: {  	_ =	sfence.sel $0x180000  }
0x6c: {  	[bflag:$0x0] =	sbarrier.arrive $0xFFFF  }
0x6d: {  	p0 =	sne.s32 s0, $0x0;
	_ =	strace $0x90000047  }
0x6e: {  	s0 =	sadd.s32 @!p0 $0x100000, s1;
	[bflag:$0x2] =	sbarrier.arrive $0xFFFF  }
0x6f: {  	[sflag:s0] =	ssyncadd.tile.s32 @!p0 $0x1;
	_ =	shalt  }
.Lfunc_end2:
_tile_overlayer_lowered:
.L_overlay_start_2:
0x70: {  	(tag) =	ssettag $0x2  }
0x71: {  	s0 =	rddreg [dreg:$0x0];
	s2 =	stileid.u32  }
0x72: {  	s1 =	rddreg [dreg:$0x1];
	p0 =	sne.s32 s2, $0x0  }
0x73: {  	s3 =	rddreg [dreg:$0x2];
	[bflag:$0x3] =	sbarrier.arrive $0xFFFF;
	s2 =	simm.s32 @!p0 $0x1C02  }
0x74: {  	[timem:s3], [sflag:s2] =	dma.local @!p0 [hbm:s0], s1  }
0x75: {  	s0 =	simm.s32 @!p0 $0x2  }
0x76: {  	_ =	swait.ge @!p0 [sflag:s0], s1  }
0x77: {  	s1 =	ssub.s32 @!p0 $0x0, s1;
	[sflag:s0] =	ssyncset.done @!p0 $0x0  }
0x78: {  	[sflag:s0] =	ssyncadd.s32 @!p0 s1  }
0x79: {  	[bflag:$0x3] =	sbarrier.arrive $0xFFFF  }
0x7a: {  	_ =	shalt  }

</sc_bundles>
